<compile_context>
chip_gen: v7x
topology: tpu7x:2x2x1
jax: 0.10.2.dev20260603
libtpu: 0.0.44.dev20260713+nightly
codegen_flags: <defaults>
</compile_context>

<pallas_src>
import functools

import jax
import jax.numpy as jnp
from jax import lax
from jax.experimental import pallas as pl
from jax.experimental.pallas import tpu as pltpu
from jax.experimental.pallas import tpu_sc as plsc

_N = 10000
_E = 320000
_DIN = 128
_DH = 256
_DZ = 128
_G = 64
_W = 128

_NC = 2
_NS = 16
_CHUNK = 128
_CPT = 80
_NCH = _NC * _NS * _CPT
_EP = _NCH * _CHUNK
_CPT_COL = _NCH // _NS
_IB = 40
_CHUNK80 = 80
_RPT = 632
_NP = _NS * _RPT

_mesh = plsc.VectorSubcoreMesh(
    core_axis_name="c", subcore_axis_name="s", num_cores=_NC, num_subcores=_NS
)


def _deg_body(dst_hbm, ones_hbm, zeros_hbm, out_hbm, dst_v, ones_v, acc, sem):
    c = lax.axis_index("c")
    s = lax.axis_index("s")
    w = c * _NS + s
    pltpu.sync_copy(ones_hbm, ones_v)
    pltpu.sync_copy(dst_hbm.at[pl.ds(w * _CPT, _CPT)], dst_v)
    pltpu.sync_copy(zeros_hbm, acc.at[pl.ds(s * _RPT, _RPT)])
    plsc.subcore_barrier()

    pltpu.async_copy(ones_v, acc.at[dst_v.at[0]], sem, add=True)

    def body(i, carry):
        d = pltpu.async_copy(ones_v, acc.at[dst_v.at[i + 1]], sem, add=True)
        d.wait()
        return carry

    lax.fori_loop(0, _CPT - 1, body, 0)
    pltpu.make_async_copy(ones_hbm, ones_v, sem).wait()

    plsc.subcore_barrier()
    row0 = s * _RPT
    pltpu.sync_copy(
        acc.at[pl.ds(row0, _RPT)],
        out_hbm.at[pl.ds(c * _NP + row0, _RPT)],
    )


_deg_kernel = functools.partial(
    pl.kernel,
    _deg_body,
    out_type=jax.ShapeDtypeStruct((2 * _NP, _W), jnp.float32),
    mesh=_mesh,
    scratch_types=[
        pltpu.VMEM((_CPT, _CHUNK), jnp.int32),
        pltpu.VMEM((_CHUNK, _W), jnp.float32),
        pltpu.VMEM_SHARED((_NP, _W), jnp.float32),
        pltpu.SemaphoreType.DMA,
    ],
)()


def _edge_body(col_split, table_hbm, src_hbm, dst_hbm, zeros_hbm, out_hbm,
               src_v, dst_v, rows_v, acc, sem):
    c = lax.axis_index("c")
    s = lax.axis_index("s")
    pltpu.sync_copy(zeros_hbm, acc.at[pl.ds(s * _RPT, _RPT)])
    plsc.subcore_barrier()

    if col_split:
        epw = _E // _NS
        ebase = s * epw
    else:
        epw = _E // (_NC * _NS)
        ebase = c * (_E // _NC) + s * epw
    coff = c * _NP

    def body(i, carry):
        off = ebase + i * _CHUNK80
        pltpu.sync_copy(src_hbm.at[pl.ds(off, _CHUNK80)], src_v)
        pltpu.sync_copy(dst_hbm.at[pl.ds(off, _CHUNK80)], dst_v)
        if col_split:
            for j in range(_CHUNK80 // 16):
                src_v[pl.ds(j * 16, 16)] = src_v[pl.ds(j * 16, 16)] + coff
        pltpu.async_copy(table_hbm.at[src_v], rows_v, sem).wait()
        pltpu.sync_copy(rows_v, acc.at[dst_v], add=True)
        return carry

    lax.fori_loop(0, epw // _CHUNK80, body, 0)
    plsc.subcore_barrier()
    row0 = s * _RPT
    pltpu.sync_copy(
        acc.at[pl.ds(row0, _RPT)],
        out_hbm.at[pl.ds(c * _NP + row0, _RPT)],
    )


def _make_edge_kernel(col_split):
    return functools.partial(
        pl.kernel,
        functools.partial(_edge_body, col_split),
        out_type=jax.ShapeDtypeStruct((2 * _NP, _W), jnp.float32),
        mesh=_mesh,
        scratch_types=[
            pltpu.VMEM((_CHUNK80,), jnp.int32),
            pltpu.VMEM((_CHUNK80,), jnp.int32),
            pltpu.VMEM((_CHUNK80, _W), jnp.float32),
            pltpu.VMEM_SHARED((_NP, _W), jnp.float32),
            pltpu.SemaphoreType.DMA,
        ],
    )()


_edge_kernel_split = _make_edge_kernel(False)
_edge_kernel_cols = _make_edge_kernel(True)


def _elu(v):
    return jnp.where(v > 0, v, jnp.exp(jnp.minimum(v, 0.0)) - 1.0)


def _tc_prep_body(degp_ref, x_ref, dis_ref, x2_ref):
    deg = degp_ref[0:_N, 0:1] + degp_ref[_NP:_NP + _N, 0:1] + 1.0
    dis = lax.rsqrt(deg)
    dis_ref[...] = dis
    x2_ref[0:_N, :] = x_ref[...] * dis


def _tc_mid_body(s1_ref, x2_ref, dis_ref, w1_ref, b1_ref, h2s_ref):
    dis = dis_ref[...]
    ax = (s1_ref[0:_N, :] + s1_ref[_NP:_NP + _N, :] + x2_ref[0:_N, :]) * dis
    h = _elu(jnp.dot(ax, w1_ref[...], preferred_element_type=jnp.float32)
             + b1_ref[...])
    h2 = h * dis
    h2s_ref[0:_N, :] = h2[:, 0:_DH // 2]
    h2s_ref[_NP:_NP + _N, :] = h2[:, _DH // 2:_DH]


def _tc_head_body(s2_ref, h2s_ref, dis_ref, wmu_ref, bmu_ref, wsg_ref,
                  bsg_ref, batch_ref, zmu_ref, zsg_ref):
    dis = dis_ref[...]
    a = s2_ref[...] + h2s_ref[...]
    ah = jnp.concatenate([a[0:_N, :], a[_NP:_NP + _N, :]], axis=1) * dis
    mu = _elu(jnp.dot(ah, wmu_ref[...], preferred_element_type=jnp.float32)
              + bmu_ref[...])
    sg = _elu(jnp.dot(ah, wsg_ref[...], preferred_element_type=jnp.float32)
              + bsg_ref[...])
    gids = lax.broadcasted_iota(jnp.int32, (_G, _N), 0)
    p = (gids == batch_ref[...]).astype(jnp.float32)
    inv_cnt = 1.0 / jnp.maximum(jnp.sum(p, axis=1, keepdims=True), 1.0)
    zmu_ref[...] = jnp.dot(p, mu, preferred_element_type=jnp.float32) * inv_cnt
    zsg_ref[...] = jnp.dot(p, sg, preferred_element_type=jnp.float32) * inv_cnt


_tc_prep = pl.pallas_call(
    _tc_prep_body,
    out_shape=(
        jax.ShapeDtypeStruct((_N, 1), jnp.float32),
        jax.ShapeDtypeStruct((_NP, _DIN), jnp.float32),
    ),
)

_tc_mid = pl.pallas_call(
    _tc_mid_body,
    out_shape=jax.ShapeDtypeStruct((2 * _NP, _DH // 2), jnp.float32),
)

_tc_head = pl.pallas_call(
    _tc_head_body,
    out_shape=(
        jax.ShapeDtypeStruct((_G, _DZ), jnp.float32),
        jax.ShapeDtypeStruct((_G, _DZ), jnp.float32),
    ),
)


def kernel(x, edge_index, batch, W1, b1, W_mu, b_mu, W_sigma, b_sigma):
    src = edge_index[0]
    dst = edge_index[1]
    dst2 = jnp.pad(dst, (0, _EP - _E), constant_values=_N).reshape(_NCH, _CHUNK)
    ones_rows = jnp.ones((_CHUNK, _W), jnp.float32)
    zrows = jnp.zeros((_RPT, _W), jnp.float32)

    degp = _deg_kernel(dst2, ones_rows, zrows)
    dis, x2 = _tc_prep(degp, x)
    s1 = _edge_kernel_split(x2, src, dst, zrows)
    h2s = _tc_mid(s1, x2, dis, W1, b1.reshape(1, _DH))
    s2 = _edge_kernel_cols(h2s, src, dst, zrows)
    z_mu, z_sigma = _tc_head(
        s2, h2s, dis, W_mu, b_mu.reshape(1, _DZ),
        W_sigma, b_sigma.reshape(1, _DZ), batch.reshape(1, _N),
    )
    return (z_mu, z_sigma)

# --- scband reference (transcript-rebuilt; emitter-appended) ---
"""Pipeline reference for scband-gnnencoder-1159641170032 (READ-ONLY COPY).

The authoritative reference and input builder live on the scoring server;
editing this copy changes nothing except your own understanding.
"""

import jax, jax.numpy as jnp
import numpy as np

N = 10000
E = 320000
DIN = 128
DH = 256
DZ = 128
G = 64


def setup_inputs(seed: int = 0) -> dict:
    key = jax.random.key(seed)
    ks = jax.random.split(key, 8)
    x = jax.random.normal(ks[0], (N, DIN), dtype=jnp.float32)
    edge_index = jax.random.randint(ks[1], (2, E), 0, N, dtype=jnp.int32)
    batch = jnp.sort(jax.random.randint(ks[2], (N,), 0, G, dtype=jnp.int32))
    W1 = jax.random.normal(ks[3], (DIN, DH), dtype=jnp.float32) * (1.0 / np.sqrt(DIN))
    b1 = jnp.zeros((DH,), dtype=jnp.float32)
    W_mu = jax.random.normal(ks[4], (DH, DZ), dtype=jnp.float32) * (1.0 / np.sqrt(DH))
    b_mu = jnp.zeros((DZ,), dtype=jnp.float32)
    W_sigma = jax.random.normal(ks[5], (DH, DZ), dtype=jnp.float32) * (1.0 / np.sqrt(DH))
    b_sigma = jnp.zeros((DZ,), dtype=jnp.float32)
    return {"x": x, "edge_index": edge_index, "batch": batch,
            "W1": W1, "b1": b1, "W_mu": W_mu, "b_mu": b_mu,
            "W_sigma": W_sigma, "b_sigma": b_sigma}


def _gcn_conv(x, W, b, src, dst, n):
    # linear transform first (as in PyG GCNConv)
    h = x @ W
    # add self loops
    loop = jnp.arange(n, dtype=src.dtype)
    src2 = jnp.concatenate([src, loop])
    dst2 = jnp.concatenate([dst, loop])
    # symmetric normalization: deg computed over destination index
    ones = jnp.ones(src2.shape[0], dtype=h.dtype)
    deg = jax.ops.segment_sum(ones, dst2, num_segments=n)
    deg_inv_sqrt = jnp.where(deg > 0, jax.lax.rsqrt(jnp.maximum(deg, 1e-12)), 0.0)
    norm = deg_inv_sqrt[src2] * deg_inv_sqrt[dst2]
    msg = h[src2] * norm[:, None]
    out = jax.ops.segment_sum(msg, dst2, num_segments=n)
    return out + b


def _global_mean_pool(h, batch, num_graphs):
    sums = jax.ops.segment_sum(h, batch, num_segments=num_graphs)
    counts = jax.ops.segment_sum(jnp.ones(h.shape[0], dtype=h.dtype), batch, num_segments=num_graphs)
    return sums / jnp.maximum(counts, 1.0)[:, None]


def reference(x, edge_index, batch, W1, b1, W_mu, b_mu, W_sigma, b_sigma):
    src = edge_index[0]
    dst = edge_index[1]
    h = jax.nn.elu(_gcn_conv(x, W1, b1, src, dst, N))
    z_mu = _global_mean_pool(jax.nn.elu(_gcn_conv(h, W_mu, b_mu, src, dst, N)), batch, G)
    z_sigma = _global_mean_pool(jax.nn.elu(_gcn_conv(h, W_sigma, b_sigma, src, dst, N)), batch, G)
    return (z_mu, z_sigma)

if __name__ == "__main__":
    import jax
    _d = setup_inputs()
    print(jax.jit(kernel)(*tuple(_d.values())))

</pallas_src>

<mosaic_0001>
#map = affine_map<(d0, d1) -> (0, 0)>
module attributes {stable_mosaic.version = 14 : i64} {
  func.func @_deg_body(%arg0: i32, %arg1: i32, %arg2: memref<2560x128xi32, #tpu.memory_space<hbm>>, %arg3: memref<128x128xf32, #tpu.memory_space<hbm>>, %arg4: memref<632x128xf32, #tpu.memory_space<hbm>>, %arg5: memref<20224x128xf32, #tpu.memory_space<hbm>>, %arg6: memref<80x128xi32, #tpu.memory_space<vmem>>, %arg7: memref<128x128xf32, #tpu.memory_space<vmem>>, %arg8: memref<10112x128xf32, #tpu.memory_space<vmem_shared>>, %arg9: memref<!tpu.dma_semaphore, #tpu.memory_space<semaphore_mem>>) attributes {dimension_semantics = [#tpu.dimension_semantics<core_parallel>, #tpu.dimension_semantics<subcore_parallel>], iteration_bounds = array<i64: 2, 16>, scalar_prefetch = 0 : i64, scratch_operands = 4 : i64, tpu.core_type = #tpu.core_type<sc_vector_subcore>, window_params = [{transform_indices = #map}, {transform_indices = #map}, {transform_indices = #map}, {transform_indices = #map}]} {
    %mul3A = arith.constant 16 : i32
    %mul3A_0 = arith.muli %arg0, %mul3A : i32
    %add3A = arith.addi %mul3A_0, %arg1 : i32
    "tpu.region"() ({
      %run_scoped3A = tpu.sem_alloc : memref<!tpu.dma_semaphore, #tpu.memory_space<semaphore_mem>>
      tpu.enqueue_dma source(%arg3 : memref<128x128xf32, #tpu.memory_space<hbm>>) target(%arg7 : memref<128x128xf32, #tpu.memory_space<vmem>>) target_semaphore(%run_scoped3A : memref<!tpu.dma_semaphore, #tpu.memory_space<semaphore_mem>>)
      tpu.wait_dma2 semaphore(%run_scoped3A : memref<!tpu.dma_semaphore, #tpu.memory_space<semaphore_mem>>) src(%arg3 : memref<128x128xf32, #tpu.memory_space<hbm>>) dst(%arg7 : memref<128x128xf32, #tpu.memory_space<vmem>>)
      tpu.yield
    }) : () -> ()
    %mul3A_1 = arith.constant 80 : i32
    %mul3A_2 = arith.muli %add3A, %mul3A_1 : i32
    "tpu.region"() ({
      %run_scoped3A = tpu.sem_alloc : memref<!tpu.dma_semaphore, #tpu.memory_space<semaphore_mem>>
      %dma_start3A_22 = arith.constant 0 : i32
      %dma_start3A_23 = tpu.memref_slice %arg2[%mul3A_2, %dma_start3A_22] : memref<2560x128xi32, #tpu.memory_space<hbm>> -> memref<80x128xi32, #tpu.memory_space<hbm>>
      %dma_start3A_24 = arith.constant 0 : i32
      %dma_start3A_25 = tpu.memref_slice %arg2[%mul3A_2, %dma_start3A_24] : memref<2560x128xi32, #tpu.memory_space<hbm>> -> memref<80x128xi32, #tpu.memory_space<hbm>>
      tpu.enqueue_dma source(%dma_start3A_25 : memref<80x128xi32, #tpu.memory_space<hbm>>) target(%arg6 : memref<80x128xi32, #tpu.memory_space<vmem>>) target_semaphore(%run_scoped3A : memref<!tpu.dma_semaphore, #tpu.memory_space<semaphore_mem>>)
      %dma_wait3A = arith.constant 0 : i32
      %dma_wait3A_26 = tpu.memref_slice %arg2[%mul3A_2, %dma_wait3A] : memref<2560x128xi32, #tpu.memory_space<hbm>> -> memref<80x128xi32, #tpu.memory_space<hbm>>
      %dma_wait3A_27 = arith.constant 0 : i32
      %dma_wait3A_28 = tpu.memref_slice %arg2[%mul3A_2, %dma_wait3A_27] : memref<2560x128xi32, #tpu.memory_space<hbm>> -> memref<80x128xi32, #tpu.memory_space<hbm>>
      tpu.wait_dma2 semaphore(%run_scoped3A : memref<!tpu.dma_semaphore, #tpu.memory_space<semaphore_mem>>) src(%dma_wait3A_28 : memref<80x128xi32, #tpu.memory_space<hbm>>) dst(%arg6 : memref<80x128xi32, #tpu.memory_space<vmem>>)
      tpu.yield
    }) : () -> ()
    %mul3A_3 = arith.constant 632 : i32
    %mul3A_4 = arith.muli %arg1, %mul3A_3 : i32
    "tpu.region"() ({
      %run_scoped3A = tpu.sem_alloc : memref<!tpu.dma_semaphore, #tpu.memory_space<semaphore_mem>>
      %dma_start3A_22 = arith.constant 0 : i32
      %dma_start3A_23 = tpu.memref_slice %arg8[%mul3A_4, %dma_start3A_22] : memref<10112x128xf32, #tpu.memory_space<vmem_shared>> -> memref<632x128xf32, #tpu.memory_space<vmem_shared>>
      tpu.enqueue_dma source(%arg4 : memref<632x128xf32, #tpu.memory_space<hbm>>) target(%dma_start3A_23 : memref<632x128xf32, #tpu.memory_space<vmem_shared>>) target_semaphore(%run_scoped3A : memref<!tpu.dma_semaphore, #tpu.memory_space<semaphore_mem>>)
      %dma_wait3A = arith.constant 0 : i32
      %dma_wait3A_24 = tpu.memref_slice %arg8[%mul3A_4, %dma_wait3A] : memref<10112x128xf32, #tpu.memory_space<vmem_shared>> -> memref<632x128xf32, #tpu.memory_space<vmem_shared>>
      tpu.wait_dma2 semaphore(%run_scoped3A : memref<!tpu.dma_semaphore, #tpu.memory_space<semaphore_mem>>) src(%arg4 : memref<632x128xf32, #tpu.memory_space<hbm>>) dst(%dma_wait3A_24 : memref<632x128xf32, #tpu.memory_space<vmem_shared>>)
      tpu.yield
    }) : () -> ()
    %barrier3A = arith.constant 0 : index
    tpu.barrier barrier_id(%barrier3A)
    %dma_start3A = arith.constant 0 : i32
    %dma_start3A_5 = arith.constant 0 : i32
    %dma_start3A_6 = tpu.memref_slice %arg6[%dma_start3A, %dma_start3A_5] : memref<80x128xi32, #tpu.memory_space<vmem>> -> memref<1x128xi32, #tpu.memory_space<vmem>>
    %dma_start3A_7 = tpu.memref_squeeze %dma_start3A_6 : memref<1x128xi32, #tpu.memory_space<vmem>> -> memref<128xi32, #tpu.memory_space<vmem>>
    %dma_start3A_8 = arith.constant 0 : i32
    %dma_start3A_9 = arith.constant 0 : i32
    %dma_start3A_10 = tpu.memref_slice %arg8[%dma_start3A_8, %dma_start3A_9] : memref<10112x128xf32, #tpu.memory_space<vmem_shared>> -> memref<10112x128xf32, #tpu.memory_space<vmem_shared>>
    tpu.enqueue_indirect_dma source(%arg7 : memref<128x128xf32, #tpu.memory_space<vmem>>) target(%dma_start3A_10 : memref<10112x128xf32, #tpu.memory_space<vmem_shared>>) offsets(%dma_start3A_7 : memref<128xi32, #tpu.memory_space<vmem>>) semaphore(%arg9 : memref<!tpu.dma_semaphore, #tpu.memory_space<semaphore_mem>>) {add = true}
    %scan3A = arith.constant 0 : i32
    %scan3A_11 = arith.constant 0 : i32
    %scan3A_12 = arith.constant 79 : i32
    %scan3A_13 = arith.addi %scan3A_11, %scan3A_12 : i32
    %scan3A_14 = arith.constant 1 : i32
    scf.for %scan3A_22 = %scan3A_11 to %scan3A_13 step %scan3A_14  : i32 {
      %add3A_23 = arith.constant 1 : i32
      %add3A_24 = arith.addi %scan3A_22, %add3A_23 : i32
      %dma_start3A_25 = arith.constant 0 : i32
      %dma_start3A_26 = tpu.memref_slice %arg6[%add3A_24, %dma_start3A_25] : memref<80x128xi32, #tpu.memory_space<vmem>> -> memref<1x128xi32, #tpu.memory_space<vmem>>
      %dma_start3A_27 = tpu.memref_squeeze %dma_start3A_26 : memref<1x128xi32, #tpu.memory_space<vmem>> -> memref<128xi32, #tpu.memory_space<vmem>>
      %dma_start3A_28 = arith.constant 0 : i32
      %dma_start3A_29 = arith.constant 0 : i32
      %dma_start3A_30 = tpu.memref_slice %arg8[%dma_start3A_28, %dma_start3A_29] : memref<10112x128xf32, #tpu.memory_space<vmem_shared>> -> memref<10112x128xf32, #tpu.memory_space<vmem_shared>>
      tpu.enqueue_indirect_dma source(%arg7 : memref<128x128xf32, #tpu.memory_space<vmem>>) target(%dma_start3A_30 : memref<10112x128xf32, #tpu.memory_space<vmem_shared>>) offsets(%dma_start3A_27 : memref<128xi32, #tpu.memory_space<vmem>>) semaphore(%arg9 : memref<!tpu.dma_semaphore, #tpu.memory_space<semaphore_mem>>) {add = true}
      %dma_wait3A = arith.constant 0 : i32
      %dma_wait3A_31 = tpu.memref_slice %arg6[%add3A_24, %dma_wait3A] : memref<80x128xi32, #tpu.memory_space<vmem>> -> memref<1x128xi32, #tpu.memory_space<vmem>>
      %dma_wait3A_32 = tpu.memref_squeeze %dma_wait3A_31 : memref<1x128xi32, #tpu.memory_space<vmem>> -> memref<128xi32, #tpu.memory_space<vmem>>
      %dma_wait3A_33 = arith.constant 0 : i32
      %dma_wait3A_34 = arith.constant 0 : i32
      %dma_wait3A_35 = tpu.memref_slice %arg8[%dma_wait3A_33, %dma_wait3A_34] : memref<10112x128xf32, #tpu.memory_space<vmem_shared>> -> memref<10112x128xf32, #tpu.memory_space<vmem_shared>>
      tpu.wait_indirect_dma semaphore(%arg9 : memref<!tpu.dma_semaphore, #tpu.memory_space<semaphore_mem>>) src(%arg7 : memref<128x128xf32, #tpu.memory_space<vmem>>) dst(%dma_wait3A_35 : memref<10112x128xf32, #tpu.memory_space<vmem_shared>>)
    }
    %scan3A_15 = arith.constant 79 : i32
    tpu.wait_dma2 semaphore(%arg9 : memref<!tpu.dma_semaphore, #tpu.memory_space<semaphore_mem>>) src(%arg3 : memref<128x128xf32, #tpu.memory_space<hbm>>) dst(%arg7 : memref<128x128xf32, #tpu.memory_space<vmem>>)
    %barrier3A_16 = arith.constant 0 : index
    tpu.barrier barrier_id(%barrier3A_16)
    %mul3A_17 = arith.constant 632 : i32
    %mul3A_18 = arith.muli %arg1, %mul3A_17 : i32
    %mul3A_19 = arith.constant 10112 : i32
    %mul3A_20 = arith.muli %arg0, %mul3A_19 : i32
    %add3A_21 = arith.addi %mul3A_20, %mul3A_18 : i32
    "tpu.region"() ({
      %run_scoped3A = tpu.sem_alloc : memref<!tpu.dma_semaphore, #tpu.memory_space<semaphore_mem>>
      %dma_start3A_22 = arith.constant 0 : i32
      %dma_start3A_23 = tpu.memref_slice %arg5[%add3A_21, %dma_start3A_22] : memref<20224x128xf32, #tpu.memory_space<hbm>> -> memref<632x128xf32, #tpu.memory_space<hbm>>
      %dma_start3A_24 = arith.constant 0 : i32
      %dma_start3A_25 = tpu.memref_slice %arg8[%mul3A_18, %dma_start3A_24] : memref<10112x128xf32, #tpu.memory_space<vmem_shared>> -> memref<632x128xf32, #tpu.memory_space<vmem_shared>>
      tpu.enqueue_dma source(%dma_start3A_25 : memref<632x128xf32, #tpu.memory_space<vmem_shared>>) target(%dma_start3A_23 : memref<632x128xf32, #tpu.memory_space<hbm>>) target_semaphore(%run_scoped3A : memref<!tpu.dma_semaphore, #tpu.memory_space<semaphore_mem>>)
      %dma_wait3A = arith.constant 0 : i32
      %dma_wait3A_26 = tpu.memref_slice %arg5[%add3A_21, %dma_wait3A] : memref<20224x128xf32, #tpu.memory_space<hbm>> -> memref<632x128xf32, #tpu.memory_space<hbm>>
      %dma_wait3A_27 = arith.constant 0 : i32
      %dma_wait3A_28 = tpu.memref_slice %arg8[%mul3A_18, %dma_wait3A_27] : memref<10112x128xf32, #tpu.memory_space<vmem_shared>> -> memref<632x128xf32, #tpu.memory_space<vmem_shared>>
      tpu.wait_dma2 semaphore(%run_scoped3A : memref<!tpu.dma_semaphore, #tpu.memory_space<semaphore_mem>>) src(%dma_wait3A_28 : memref<632x128xf32, #tpu.memory_space<vmem_shared>>) dst(%dma_wait3A_26 : memref<632x128xf32, #tpu.memory_space<hbm>>)
      tpu.yield
    }) : () -> ()
    return
  }
}

#map = affine_map<(d0, d1) -> (0, 0)>
#map1 = affine_map<(d0, d1) -> (0)>
module attributes {stable_mosaic.version = 14 : i64} {
  func.func @_edge_body(%arg0: i32, %arg1: i32, %arg2: memref<10112x128xf32, #tpu.memory_space<hbm>>, %arg3: memref<320000xi32, #tpu.memory_space<hbm>>, %arg4: memref<320000xi32, #tpu.memory_space<hbm>>, %arg5: memref<632x128xf32, #tpu.memory_space<hbm>>, %arg6: memref<20224x128xf32, #tpu.memory_space<hbm>>, %arg7: memref<80xi32, #tpu.memory_space<vmem>>, %arg8: memref<80xi32, #tpu.memory_space<vmem>>, %arg9: memref<80x128xf32, #tpu.memory_space<vmem>>, %arg10: memref<10112x128xf32, #tpu.memory_space<vmem_shared>>, %arg11: memref<!tpu.dma_semaphore, #tpu.memory_space<semaphore_mem>>) attributes {dimension_semantics = [#tpu.dimension_semantics<core_parallel>, #tpu.dimension_semantics<subcore_parallel>], iteration_bounds = array<i64: 2, 16>, scalar_prefetch = 0 : i64, scratch_operands = 5 : i64, tpu.core_type = #tpu.core_type<sc_vector_subcore>, window_params = [{transform_indices = #map}, {transform_indices = #map1}, {transform_indices = #map1}, {transform_indices = #map}, {transform_indices = #map}]} {
    %mul3A = arith.constant 632 : i32
    %mul3A_0 = arith.muli %arg1, %mul3A : i32
    "tpu.region"() ({
      %run_scoped3A = tpu.sem_alloc : memref<!tpu.dma_semaphore, #tpu.memory_space<semaphore_mem>>
      %dma_start3A = arith.constant 0 : i32
      %dma_start3A_18 = tpu.memref_slice %arg10[%mul3A_0, %dma_start3A] : memref<10112x128xf32, #tpu.memory_space<vmem_shared>> -> memref<632x128xf32, #tpu.memory_space<vmem_shared>>
      tpu.enqueue_dma source(%arg5 : memref<632x128xf32, #tpu.memory_space<hbm>>) target(%dma_start3A_18 : memref<632x128xf32, #tpu.memory_space<vmem_shared>>) target_semaphore(%run_scoped3A : memref<!tpu.dma_semaphore, #tpu.memory_space<semaphore_mem>>)
      %dma_wait3A = arith.constant 0 : i32
      %dma_wait3A_19 = tpu.memref_slice %arg10[%mul3A_0, %dma_wait3A] : memref<10112x128xf32, #tpu.memory_space<vmem_shared>> -> memref<632x128xf32, #tpu.memory_space<vmem_shared>>
      tpu.wait_dma2 semaphore(%run_scoped3A : memref<!tpu.dma_semaphore, #tpu.memory_space<semaphore_mem>>) src(%arg5 : memref<632x128xf32, #tpu.memory_space<hbm>>) dst(%dma_wait3A_19 : memref<632x128xf32, #tpu.memory_space<vmem_shared>>)
      tpu.yield
    }) : () -> ()
    %barrier3A = arith.constant 0 : index
    tpu.barrier barrier_id(%barrier3A)
    %mul3A_1 = arith.constant 160000 : i32
    %mul3A_2 = arith.muli %arg0, %mul3A_1 : i32
    %mul3A_3 = arith.constant 10000 : i32
    %mul3A_4 = arith.muli %arg1, %mul3A_3 : i32
    %add3A = arith.addi %mul3A_2, %mul3A_4 : i32
    %mul3A_5 = arith.constant 10112 : i32
    %mul3A_6 = arith.muli %arg0, %mul3A_5 : i32
    %scan3A = arith.constant 0 : i32
    %scan3A_7 = arith.constant 0 : i32
    %scan3A_8 = arith.constant 125 : i32
    %scan3A_9 = arith.addi %scan3A_7, %scan3A_8 : i32
    %scan3A_10 = arith.constant 1 : i32
    scf.for %scan3A_18 = %scan3A_7 to %scan3A_9 step %scan3A_10  : i32 {
      %mul3A_19 = arith.constant 80 : i32
      %mul3A_20 = arith.muli %scan3A_18, %mul3A_19 : i32
      %add3A_21 = arith.addi %add3A, %mul3A_20 : i32
      "tpu.region"() ({
        %run_scoped3A = tpu.sem_alloc : memref<!tpu.dma_semaphore, #tpu.memory_space<semaphore_mem>>
        %dma_start3A_26 = tpu.memref_slice %arg3[%add3A_21] : memref<320000xi32, #tpu.memory_space<hbm>> -> memref<80xi32, #tpu.memory_space<hbm>>
        %dma_start3A_27 = tpu.memref_slice %arg3[%add3A_21] : memref<320000xi32, #tpu.memory_space<hbm>> -> memref<80xi32, #tpu.memory_space<hbm>>
        tpu.enqueue_dma source(%dma_start3A_27 : memref<80xi32, #tpu.memory_space<hbm>>) target(%arg7 : memref<80xi32, #tpu.memory_space<vmem>>) target_semaphore(%run_scoped3A : memref<!tpu.dma_semaphore, #tpu.memory_space<semaphore_mem>>)
        %dma_wait3A_28 = tpu.memref_slice %arg3[%add3A_21] : memref<320000xi32, #tpu.memory_space<hbm>> -> memref<80xi32, #tpu.memory_space<hbm>>
        %dma_wait3A_29 = tpu.memref_slice %arg3[%add3A_21] : memref<320000xi32, #tpu.memory_space<hbm>> -> memref<80xi32, #tpu.memory_space<hbm>>
        tpu.wait_dma2 semaphore(%run_scoped3A : memref<!tpu.dma_semaphore, #tpu.memory_space<semaphore_mem>>) src(%dma_wait3A_29 : memref<80xi32, #tpu.memory_space<hbm>>) dst(%arg7 : memref<80xi32, #tpu.memory_space<vmem>>)
        tpu.yield
      }) : () -> ()
      "tpu.region"() ({
        %run_scoped3A = tpu.sem_alloc : memref<!tpu.dma_semaphore, #tpu.memory_space<semaphore_mem>>
        %dma_start3A_26 = tpu.memref_slice %arg4[%add3A_21] : memref<320000xi32, #tpu.memory_space<hbm>> -> memref<80xi32, #tpu.memory_space<hbm>>
        %dma_start3A_27 = tpu.memref_slice %arg4[%add3A_21] : memref<320000xi32, #tpu.memory_space<hbm>> -> memref<80xi32, #tpu.memory_space<hbm>>
        tpu.enqueue_dma source(%dma_start3A_27 : memref<80xi32, #tpu.memory_space<hbm>>) target(%arg8 : memref<80xi32, #tpu.memory_space<vmem>>) target_semaphore(%run_scoped3A : memref<!tpu.dma_semaphore, #tpu.memory_space<semaphore_mem>>)
        %dma_wait3A_28 = tpu.memref_slice %arg4[%add3A_21] : memref<320000xi32, #tpu.memory_space<hbm>> -> memref<80xi32, #tpu.memory_space<hbm>>
        %dma_wait3A_29 = tpu.memref_slice %arg4[%add3A_21] : memref<320000xi32, #tpu.memory_space<hbm>> -> memref<80xi32, #tpu.memory_space<hbm>>
        tpu.wait_dma2 semaphore(%run_scoped3A : memref<!tpu.dma_semaphore, #tpu.memory_space<semaphore_mem>>) src(%dma_wait3A_29 : memref<80xi32, #tpu.memory_space<hbm>>) dst(%arg8 : memref<80xi32, #tpu.memory_space<vmem>>)
        tpu.yield
      }) : () -> ()
      %dma_start3A = arith.constant 0 : i32
      %dma_start3A_22 = arith.constant 0 : i32
      %dma_start3A_23 = tpu.memref_slice %arg2[%dma_start3A, %dma_start3A_22] : memref<10112x128xf32, #tpu.memory_space<hbm>> -> memref<10112x128xf32, #tpu.memory_space<hbm>>
      tpu.enqueue_indirect_dma source(%dma_start3A_23 : memref<10112x128xf32, #tpu.memory_space<hbm>>) target(%arg9 : memref<80x128xf32, #tpu.memory_space<vmem>>) offsets(%arg7 : memref<80xi32, #tpu.memory_space<vmem>>) semaphore(%arg11 : memref<!tpu.dma_semaphore, #tpu.memory_space<semaphore_mem>>)
      %dma_wait3A = arith.constant 0 : i32
      %dma_wait3A_24 = arith.constant 0 : i32
      %dma_wait3A_25 = tpu.memref_slice %arg2[%dma_wait3A, %dma_wait3A_24] : memref<10112x128xf32, #tpu.memory_space<hbm>> -> memref<10112x128xf32, #tpu.memory_space<hbm>>
      tpu.wait_indirect_dma semaphore(%arg11 : memref<!tpu.dma_semaphore, #tpu.memory_space<semaphore_mem>>) src(%dma_wait3A_25 : memref<10112x128xf32, #tpu.memory_space<hbm>>) dst(%arg9 : memref<80x128xf32, #tpu.memory_space<vmem>>)
      "tpu.region"() ({
        %run_scoped3A = tpu.sem_alloc : memref<!tpu.dma_semaphore, #tpu.memory_space<semaphore_mem>>
        %dma_start3A_26 = arith.constant 0 : i32
        %dma_start3A_27 = arith.constant 0 : i32
        %dma_start3A_28 = tpu.memref_slice %arg10[%dma_start3A_26, %dma_start3A_27] : memref<10112x128xf32, #tpu.memory_space<vmem_shared>> -> memref<10112x128xf32, #tpu.memory_space<vmem_shared>>
        tpu.enqueue_indirect_dma source(%arg9 : memref<80x128xf32, #tpu.memory_space<vmem>>) target(%dma_start3A_28 : memref<10112x128xf32, #tpu.memory_space<vmem_shared>>) offsets(%arg8 : memref<80xi32, #tpu.memory_space<vmem>>) semaphore(%run_scoped3A : memref<!tpu.dma_semaphore, #tpu.memory_space<semaphore_mem>>) {add = true}
        %dma_wait3A_29 = arith.constant 0 : i32
        %dma_wait3A_30 = arith.constant 0 : i32
        %dma_wait3A_31 = tpu.memref_slice %arg10[%dma_wait3A_29, %dma_wait3A_30] : memref<10112x128xf32, #tpu.memory_space<vmem_shared>> -> memref<10112x128xf32, #tpu.memory_space<vmem_shared>>
        tpu.wait_indirect_dma semaphore(%run_scoped3A : memref<!tpu.dma_semaphore, #tpu.memory_space<semaphore_mem>>) src(%arg9 : memref<80x128xf32, #tpu.memory_space<vmem>>) dst(%dma_wait3A_31 : memref<10112x128xf32, #tpu.memory_space<vmem_shared>>)
        tpu.yield
      }) : () -> ()
    }
    %scan3A_11 = arith.constant 125 : i32
    %barrier3A_12 = arith.constant 0 : index
    tpu.barrier barrier_id(%barrier3A_12)
    %mul3A_13 = arith.constant 632 : i32
    %mul3A_14 = arith.muli %arg1, %mul3A_13 : i32
    %mul3A_15 = arith.constant 10112 : i32
    %mul3A_16 = arith.muli %arg0, %mul3A_15 : i32
    %add3A_17 = arith.addi %mul3A_16, %mul3A_14 : i32
    "tpu.region"() ({
      %run_scoped3A = tpu.sem_alloc : memref<!tpu.dma_semaphore, #tpu.memory_space<semaphore_mem>>
      %dma_start3A = arith.constant 0 : i32
      %dma_start3A_18 = tpu.memref_slice %arg6[%add3A_17, %dma_start3A] : memref<20224x128xf32, #tpu.memory_space<hbm>> -> memref<632x128xf32, #tpu.memory_space<hbm>>
      %dma_start3A_19 = arith.constant 0 : i32
      %dma_start3A_20 = tpu.memref_slice %arg10[%mul3A_14, %dma_start3A_19] : memref<10112x128xf32, #tpu.memory_space<vmem_shared>> -> memref<632x128xf32, #tpu.memory_space<vmem_shared>>
      tpu.enqueue_dma source(%dma_start3A_20 : memref<632x128xf32, #tpu.memory_space<vmem_shared>>) target(%dma_start3A_18 : memref<632x128xf32, #tpu.memory_space<hbm>>) target_semaphore(%run_scoped3A : memref<!tpu.dma_semaphore, #tpu.memory_space<semaphore_mem>>)
      %dma_wait3A = arith.constant 0 : i32
      %dma_wait3A_21 = tpu.memref_slice %arg6[%add3A_17, %dma_wait3A] : memref<20224x128xf32, #tpu.memory_space<hbm>> -> memref<632x128xf32, #tpu.memory_space<hbm>>
      %dma_wait3A_22 = arith.constant 0 : i32
      %dma_wait3A_23 = tpu.memref_slice %arg10[%mul3A_14, %dma_wait3A_22] : memref<10112x128xf32, #tpu.memory_space<vmem_shared>> -> memref<632x128xf32, #tpu.memory_space<vmem_shared>>
      tpu.wait_dma2 semaphore(%run_scoped3A : memref<!tpu.dma_semaphore, #tpu.memory_space<semaphore_mem>>) src(%dma_wait3A_23 : memref<632x128xf32, #tpu.memory_space<vmem_shared>>) dst(%dma_wait3A_21 : memref<632x128xf32, #tpu.memory_space<hbm>>)
      tpu.yield
    }) : () -> ()
    return
  }
}

#map = affine_map<(d0, d1) -> (0, 0)>
#map1 = affine_map<(d0, d1) -> (0)>
module attributes {stable_mosaic.version = 14 : i64} {
  func.func @_edge_body(%arg0: i32, %arg1: i32, %arg2: memref<20224x128xf32, #tpu.memory_space<hbm>>, %arg3: memref<320000xi32, #tpu.memory_space<hbm>>, %arg4: memref<320000xi32, #tpu.memory_space<hbm>>, %arg5: memref<632x128xf32, #tpu.memory_space<hbm>>, %arg6: memref<20224x128xf32, #tpu.memory_space<hbm>>, %arg7: memref<80xi32, #tpu.memory_space<vmem>>, %arg8: memref<80xi32, #tpu.memory_space<vmem>>, %arg9: memref<80x128xf32, #tpu.memory_space<vmem>>, %arg10: memref<10112x128xf32, #tpu.memory_space<vmem_shared>>, %arg11: memref<!tpu.dma_semaphore, #tpu.memory_space<semaphore_mem>>) attributes {dimension_semantics = [#tpu.dimension_semantics<core_parallel>, #tpu.dimension_semantics<subcore_parallel>], iteration_bounds = array<i64: 2, 16>, scalar_prefetch = 0 : i64, scratch_operands = 5 : i64, tpu.core_type = #tpu.core_type<sc_vector_subcore>, window_params = [{transform_indices = #map}, {transform_indices = #map1}, {transform_indices = #map1}, {transform_indices = #map}, {transform_indices = #map}]} {
    %mul3A = arith.constant 632 : i32
    %mul3A_0 = arith.muli %arg1, %mul3A : i32
    "tpu.region"() ({
      %run_scoped3A = tpu.sem_alloc : memref<!tpu.dma_semaphore, #tpu.memory_space<semaphore_mem>>
      %dma_start3A = arith.constant 0 : i32
      %dma_start3A_15 = tpu.memref_slice %arg10[%mul3A_0, %dma_start3A] : memref<10112x128xf32, #tpu.memory_space<vmem_shared>> -> memref<632x128xf32, #tpu.memory_space<vmem_shared>>
      tpu.enqueue_dma source(%arg5 : memref<632x128xf32, #tpu.memory_space<hbm>>) target(%dma_start3A_15 : memref<632x128xf32, #tpu.memory_space<vmem_shared>>) target_semaphore(%run_scoped3A : memref<!tpu.dma_semaphore, #tpu.memory_space<semaphore_mem>>)
      %dma_wait3A = arith.constant 0 : i32
      %dma_wait3A_16 = tpu.memref_slice %arg10[%mul3A_0, %dma_wait3A] : memref<10112x128xf32, #tpu.memory_space<vmem_shared>> -> memref<632x128xf32, #tpu.memory_space<vmem_shared>>
      tpu.wait_dma2 semaphore(%run_scoped3A : memref<!tpu.dma_semaphore, #tpu.memory_space<semaphore_mem>>) src(%arg5 : memref<632x128xf32, #tpu.memory_space<hbm>>) dst(%dma_wait3A_16 : memref<632x128xf32, #tpu.memory_space<vmem_shared>>)
      tpu.yield
    }) : () -> ()
    %barrier3A = arith.constant 0 : index
    tpu.barrier barrier_id(%barrier3A)
    %mul3A_1 = arith.constant 20000 : i32
    %mul3A_2 = arith.muli %arg1, %mul3A_1 : i32
    %mul3A_3 = arith.constant 10112 : i32
    %mul3A_4 = arith.muli %arg0, %mul3A_3 : i32
    %scan3A = arith.constant 0 : i32
    %scan3A_5 = arith.constant 0 : i32
    %scan3A_6 = arith.constant 250 : i32
    %scan3A_7 = arith.addi %scan3A_5, %scan3A_6 : i32
    %scan3A_8 = arith.constant 1 : i32
    scf.for %scan3A_15 = %scan3A_5 to %scan3A_7 step %scan3A_8  : i32 {
      %mul3A_16 = arith.constant 80 : i32
      %mul3A_17 = arith.muli %scan3A_15, %mul3A_16 : i32
      %add3A_18 = arith.addi %mul3A_2, %mul3A_17 : i32
      "tpu.region"() ({
        %run_scoped3A = tpu.sem_alloc : memref<!tpu.dma_semaphore, #tpu.memory_space<semaphore_mem>>
        %dma_start3A_66 = tpu.memref_slice %arg3[%add3A_18] : memref<320000xi32, #tpu.memory_space<hbm>> -> memref<80xi32, #tpu.memory_space<hbm>>
        %dma_start3A_67 = tpu.memref_slice %arg3[%add3A_18] : memref<320000xi32, #tpu.memory_space<hbm>> -> memref<80xi32, #tpu.memory_space<hbm>>
        tpu.enqueue_dma source(%dma_start3A_67 : memref<80xi32, #tpu.memory_space<hbm>>) target(%arg7 : memref<80xi32, #tpu.memory_space<vmem>>) target_semaphore(%run_scoped3A : memref<!tpu.dma_semaphore, #tpu.memory_space<semaphore_mem>>)
        %dma_wait3A_68 = tpu.memref_slice %arg3[%add3A_18] : memref<320000xi32, #tpu.memory_space<hbm>> -> memref<80xi32, #tpu.memory_space<hbm>>
        %dma_wait3A_69 = tpu.memref_slice %arg3[%add3A_18] : memref<320000xi32, #tpu.memory_space<hbm>> -> memref<80xi32, #tpu.memory_space<hbm>>
        tpu.wait_dma2 semaphore(%run_scoped3A : memref<!tpu.dma_semaphore, #tpu.memory_space<semaphore_mem>>) src(%dma_wait3A_69 : memref<80xi32, #tpu.memory_space<hbm>>) dst(%arg7 : memref<80xi32, #tpu.memory_space<vmem>>)
        tpu.yield
      }) : () -> ()
      "tpu.region"() ({
        %run_scoped3A = tpu.sem_alloc : memref<!tpu.dma_semaphore, #tpu.memory_space<semaphore_mem>>
        %dma_start3A_66 = tpu.memref_slice %arg4[%add3A_18] : memref<320000xi32, #tpu.memory_space<hbm>> -> memref<80xi32, #tpu.memory_space<hbm>>
        %dma_start3A_67 = tpu.memref_slice %arg4[%add3A_18] : memref<320000xi32, #tpu.memory_space<hbm>> -> memref<80xi32, #tpu.memory_space<hbm>>
        tpu.enqueue_dma source(%dma_start3A_67 : memref<80xi32, #tpu.memory_space<hbm>>) target(%arg8 : memref<80xi32, #tpu.memory_space<vmem>>) target_semaphore(%run_scoped3A : memref<!tpu.dma_semaphore, #tpu.memory_space<semaphore_mem>>)
        %dma_wait3A_68 = tpu.memref_slice %arg4[%add3A_18] : memref<320000xi32, #tpu.memory_space<hbm>> -> memref<80xi32, #tpu.memory_space<hbm>>
        %dma_wait3A_69 = tpu.memref_slice %arg4[%add3A_18] : memref<320000xi32, #tpu.memory_space<hbm>> -> memref<80xi32, #tpu.memory_space<hbm>>
        tpu.wait_dma2 semaphore(%run_scoped3A : memref<!tpu.dma_semaphore, #tpu.memory_space<semaphore_mem>>) src(%dma_wait3A_69 : memref<80xi32, #tpu.memory_space<hbm>>) dst(%arg8 : memref<80xi32, #tpu.memory_space<vmem>>)
        tpu.yield
      }) : () -> ()
      %get3A = arith.constant 0 : index
      %get3A_19 = tpu.vector_load %arg7[%get3A] {strides = array<i32>} : memref<80xi32, #tpu.memory_space<vmem>>, vector<16xi32>,
      %get3A_20 = vector.shape_cast %get3A_19 : vector<16xi32> to vector<16xi32>
      %add3A_21 = vector.broadcast %mul3A_4 : i32 to vector<16xi32>
      %add3A_22 = arith.addi %get3A_20, %add3A_21 : vector<16xi32>
      %swap3A = arith.constant 0 : index
      %swap3A_23 = tpu.vector_load %arg7[%swap3A] {strides = array<i32>} : memref<80xi32, #tpu.memory_space<vmem>>, vector<16xi32>,
      %swap3A_24 = vector.shape_cast %swap3A_23 : vector<16xi32> to vector<16xi32>
      %swap3A_25 = vector.shape_cast %add3A_22 : vector<16xi32> to vector<16xi32>
      tpu.vector_store %arg7[%swap3A], %swap3A_25 {strides = array<i32>} : memref<80xi32, #tpu.memory_space<vmem>>, vector<16xi32>,
      %get3A_26 = arith.constant 16 : index
      %get3A_27 = tpu.vector_load %arg7[%get3A_26] {strides = array<i32>} : memref<80xi32, #tpu.memory_space<vmem>>, vector<16xi32>,
      %get3A_28 = vector.shape_cast %get3A_27 : vector<16xi32> to vector<16xi32>
      %add3A_29 = vector.broadcast %mul3A_4 : i32 to vector<16xi32>
      %add3A_30 = arith.addi %get3A_28, %add3A_29 : vector<16xi32>
      %swap3A_31 = arith.constant 16 : index
      %swap3A_32 = tpu.vector_load %arg7[%swap3A_31] {strides = array<i32>} : memref<80xi32, #tpu.memory_space<vmem>>, vector<16xi32>,
      %swap3A_33 = vector.shape_cast %swap3A_32 : vector<16xi32> to vector<16xi32>
      %swap3A_34 = vector.shape_cast %add3A_30 : vector<16xi32> to vector<16xi32>
      tpu.vector_store %arg7[%swap3A_31], %swap3A_34 {strides = array<i32>} : memref<80xi32, #tpu.memory_space<vmem>>, vector<16xi32>,
      %get3A_35 = arith.constant 32 : index
      %get3A_36 = tpu.vector_load %arg7[%get3A_35] {strides = array<i32>} : memref<80xi32, #tpu.memory_space<vmem>>, vector<16xi32>,
      %get3A_37 = vector.shape_cast %get3A_36 : vector<16xi32> to vector<16xi32>
      %add3A_38 = vector.broadcast %mul3A_4 : i32 to vector<16xi32>
      %add3A_39 = arith.addi %get3A_37, %add3A_38 : vector<16xi32>
      %swap3A_40 = arith.constant 32 : index
      %swap3A_41 = tpu.vector_load %arg7[%swap3A_40] {strides = array<i32>} : memref<80xi32, #tpu.memory_space<vmem>>, vector<16xi32>,
      %swap3A_42 = vector.shape_cast %swap3A_41 : vector<16xi32> to vector<16xi32>
      %swap3A_43 = vector.shape_cast %add3A_39 : vector<16xi32> to vector<16xi32>
      tpu.vector_store %arg7[%swap3A_40], %swap3A_43 {strides = array<i32>} : memref<80xi32, #tpu.memory_space<vmem>>, vector<16xi32>,
      %get3A_44 = arith.constant 48 : index
      %get3A_45 = tpu.vector_load %arg7[%get3A_44] {strides = array<i32>} : memref<80xi32, #tpu.memory_space<vmem>>, vector<16xi32>,
      %get3A_46 = vector.shape_cast %get3A_45 : vector<16xi32> to vector<16xi32>
      %add3A_47 = vector.broadcast %mul3A_4 : i32 to vector<16xi32>
      %add3A_48 = arith.addi %get3A_46, %add3A_47 : vector<16xi32>
      %swap3A_49 = arith.constant 48 : index
      %swap3A_50 = tpu.vector_load %arg7[%swap3A_49] {strides = array<i32>} : memref<80xi32, #tpu.memory_space<vmem>>, vector<16xi32>,
      %swap3A_51 = vector.shape_cast %swap3A_50 : vector<16xi32> to vector<16xi32>
      %swap3A_52 = vector.shape_cast %add3A_48 : vector<16xi32> to vector<16xi32>
      tpu.vector_store %arg7[%swap3A_49], %swap3A_52 {strides = array<i32>} : memref<80xi32, #tpu.memory_space<vmem>>, vector<16xi32>,
      %get3A_53 = arith.constant 64 : index
      %get3A_54 = tpu.vector_load %arg7[%get3A_53] {strides = array<i32>} : memref<80xi32, #tpu.memory_space<vmem>>, vector<16xi32>,
      %get3A_55 = vector.shape_cast %get3A_54 : vector<16xi32> to vector<16xi32>
      %add3A_56 = vector.broadcast %mul3A_4 : i32 to vector<16xi32>
      %add3A_57 = arith.addi %get3A_55, %add3A_56 : vector<16xi32>
      %swap3A_58 = arith.constant 64 : index
      %swap3A_59 = tpu.vector_load %arg7[%swap3A_58] {strides = array<i32>} : memref<80xi32, #tpu.memory_space<vmem>>, vector<16xi32>,
      %swap3A_60 = vector.shape_cast %swap3A_59 : vector<16xi32> to vector<16xi32>
      %swap3A_61 = vector.shape_cast %add3A_57 : vector<16xi32> to vector<16xi32>
      tpu.vector_store %arg7[%swap3A_58], %swap3A_61 {strides = array<i32>} : memref<80xi32, #tpu.memory_space<vmem>>, vector<16xi32>,
      %dma_start3A = arith.constant 0 : i32
      %dma_start3A_62 = arith.constant 0 : i32
      %dma_start3A_63 = tpu.memref_slice %arg2[%dma_start3A, %dma_start3A_62] : memref<20224x128xf32, #tpu.memory_space<hbm>> -> memref<20224x128xf32, #tpu.memory_space<hbm>>
      tpu.enqueue_indirect_dma source(%dma_start3A_63 : memref<20224x128xf32, #tpu.memory_space<hbm>>) target(%arg9 : memref<80x128xf32, #tpu.memory_space<vmem>>) offsets(%arg7 : memref<80xi32, #tpu.memory_space<vmem>>) semaphore(%arg11 : memref<!tpu.dma_semaphore, #tpu.memory_space<semaphore_mem>>)
      %dma_wait3A = arith.constant 0 : i32
      %dma_wait3A_64 = arith.constant 0 : i32
      %dma_wait3A_65 = tpu.memref_slice %arg2[%dma_wait3A, %dma_wait3A_64] : memref<20224x128xf32, #tpu.memory_space<hbm>> -> memref<20224x128xf32, #tpu.memory_space<hbm>>
      tpu.wait_indirect_dma semaphore(%arg11 : memref<!tpu.dma_semaphore, #tpu.memory_space<semaphore_mem>>) src(%dma_wait3A_65 : memref<20224x128xf32, #tpu.memory_space<hbm>>) dst(%arg9 : memref<80x128xf32, #tpu.memory_space<vmem>>)
      "tpu.region"() ({
        %run_scoped3A = tpu.sem_alloc : memref<!tpu.dma_semaphore, #tpu.memory_space<semaphore_mem>>
        %dma_start3A_66 = arith.constant 0 : i32
        %dma_start3A_67 = arith.constant 0 : i32
        %dma_start3A_68 = tpu.memref_slice %arg10[%dma_start3A_66, %dma_start3A_67] : memref<10112x128xf32, #tpu.memory_space<vmem_shared>> -> memref<10112x128xf32, #tpu.memory_space<vmem_shared>>
        tpu.enqueue_indirect_dma source(%arg9 : memref<80x128xf32, #tpu.memory_space<vmem>>) target(%dma_start3A_68 : memref<10112x128xf32, #tpu.memory_space<vmem_shared>>) offsets(%arg8 : memref<80xi32, #tpu.memory_space<vmem>>) semaphore(%run_scoped3A : memref<!tpu.dma_semaphore, #tpu.memory_space<semaphore_mem>>) {add = true}
        %dma_wait3A_69 = arith.constant 0 : i32
        %dma_wait3A_70 = arith.constant 0 : i32
        %dma_wait3A_71 = tpu.memref_slice %arg10[%dma_wait3A_69, %dma_wait3A_70] : memref<10112x128xf32, #tpu.memory_space<vmem_shared>> -> memref<10112x128xf32, #tpu.memory_space<vmem_shared>>
        tpu.wait_indirect_dma semaphore(%run_scoped3A : memref<!tpu.dma_semaphore, #tpu.memory_space<semaphore_mem>>) src(%arg9 : memref<80x128xf32, #tpu.memory_space<vmem>>) dst(%dma_wait3A_71 : memref<10112x128xf32, #tpu.memory_space<vmem_shared>>)
        tpu.yield
      }) : () -> ()
    }
    %scan3A_9 = arith.constant 250 : i32
    %barrier3A_10 = arith.constant 0 : index
    tpu.barrier barrier_id(%barrier3A_10)
    %mul3A_11 = arith.constant 632 : i32
    %mul3A_12 = arith.muli %arg1, %mul3A_11 : i32
    %mul3A_13 = arith.constant 10112 : i32
    %mul3A_14 = arith.muli %arg0, %mul3A_13 : i32
    %add3A = arith.addi %mul3A_14, %mul3A_12 : i32
    "tpu.region"() ({
      %run_scoped3A = tpu.sem_alloc : memref<!tpu.dma_semaphore, #tpu.memory_space<semaphore_mem>>
      %dma_start3A = arith.constant 0 : i32
      %dma_start3A_15 = tpu.memref_slice %arg6[%add3A, %dma_start3A] : memref<20224x128xf32, #tpu.memory_space<hbm>> -> memref<632x128xf32, #tpu.memory_space<hbm>>
      %dma_start3A_16 = arith.constant 0 : i32
      %dma_start3A_17 = tpu.memref_slice %arg10[%mul3A_12, %dma_start3A_16] : memref<10112x128xf32, #tpu.memory_space<vmem_shared>> -> memref<632x128xf32, #tpu.memory_space<vmem_shared>>
      tpu.enqueue_dma source(%dma_start3A_17 : memref<632x128xf32, #tpu.memory_space<vmem_shared>>) target(%dma_start3A_15 : memref<632x128xf32, #tpu.memory_space<hbm>>) target_semaphore(%run_scoped3A : memref<!tpu.dma_semaphore, #tpu.memory_space<semaphore_mem>>)
      %dma_wait3A = arith.constant 0 : i32
      %dma_wait3A_18 = tpu.memref_slice %arg6[%add3A, %dma_wait3A] : memref<20224x128xf32, #tpu.memory_space<hbm>> -> memref<632x128xf32, #tpu.memory_space<hbm>>
      %dma_wait3A_19 = arith.constant 0 : i32
      %dma_wait3A_20 = tpu.memref_slice %arg10[%mul3A_12, %dma_wait3A_19] : memref<10112x128xf32, #tpu.memory_space<vmem_shared>> -> memref<632x128xf32, #tpu.memory_space<vmem_shared>>
      tpu.wait_dma2 semaphore(%run_scoped3A : memref<!tpu.dma_semaphore, #tpu.memory_space<semaphore_mem>>) src(%dma_wait3A_20 : memref<632x128xf32, #tpu.memory_space<vmem_shared>>) dst(%dma_wait3A_18 : memref<632x128xf32, #tpu.memory_space<hbm>>)
      tpu.yield
    }) : () -> ()
    return
  }
}

module attributes {stable_mosaic.version = 14 : i64} {
  func.func @_tc_prep_body(%arg0: memref<20224x128xf32, #tpu.memory_space<vmem>>, %arg1: memref<10000x128xf32, #tpu.memory_space<vmem>>, %arg2: memref<10000x1xf32, #tpu.memory_space<vmem>>, %arg3: memref<10112x128xf32, #tpu.memory_space<vmem>>) attributes {dimension_semantics = [], scalar_prefetch = 0 : i64, scratch_operands = 0 : i64, tpu.core_type = #tpu.core_type<tc>} {
    %get3A = arith.constant 0 : index
    %get3A_0 = arith.constant 0 : index
    %get3A_1 = vector.load %arg0[%get3A, %get3A_0] : memref<20224x128xf32, #tpu.memory_space<vmem>>, vector<10000x1xf32>
    %get3A_2 = arith.constant 10112 : index
    %get3A_3 = arith.constant 0 : index
    %get3A_4 = vector.load %arg0[%get3A_2, %get3A_3] : memref<20224x128xf32, #tpu.memory_space<vmem>>, vector<10000x1xf32>
    %add3A = arith.addf %get3A_1, %get3A_4 : vector<10000x1xf32>
    %add3A_5 = arith.constant 1.000000e+00 : f32
    %add3A_6 = vector.broadcast %add3A_5 : f32 to vector<10000x1xf32>
    %add3A_7 = arith.addf %add3A, %add3A_6 : vector<10000x1xf32>
    %rsqrt3A = math.rsqrt %add3A_7 : vector<10000x1xf32>
    %swap3A = arith.constant 0 : index
    %swap3A_8 = arith.constant 0 : index
    %swap3A_9 = vector.load %arg2[%swap3A, %swap3A_8] : memref<10000x1xf32, #tpu.memory_space<vmem>>, vector<10000x1xf32>
    tpu.vector_store %arg2[%swap3A, %swap3A_8], %rsqrt3A {strides = array<i32>} : memref<10000x1xf32, #tpu.memory_space<vmem>>, vector<10000x1xf32>,
    %get3A_10 = arith.constant 0 : index
    %get3A_11 = arith.constant 0 : index
    %get3A_12 = vector.load %arg1[%get3A_10, %get3A_11] : memref<10000x128xf32, #tpu.memory_space<vmem>>, vector<10000x128xf32>
    %mul3A = vector.broadcast %rsqrt3A : vector<10000x1xf32> to vector<10000x128xf32>
    %mul3A_13 = arith.mulf %get3A_12, %mul3A : vector<10000x128xf32>
    %swap3A_14 = arith.constant 0 : index
    %swap3A_15 = arith.constant 0 : index
    %swap3A_16 = vector.load %arg3[%swap3A_14, %swap3A_15] : memref<10112x128xf32, #tpu.memory_space<vmem>>, vector<10000x128xf32>
    tpu.vector_store %arg3[%swap3A_14, %swap3A_15], %mul3A_13 {strides = array<i32>} : memref<10112x128xf32, #tpu.memory_space<vmem>>, vector<10000x128xf32>,
    return
  }
}

module attributes {stable_mosaic.version = 14 : i64} {
  func.func @_tc_mid_body(%arg0: memref<20224x128xf32, #tpu.memory_space<vmem>>, %arg1: memref<10112x128xf32, #tpu.memory_space<vmem>>, %arg2: memref<10000x1xf32, #tpu.memory_space<vmem>>, %arg3: memref<128x256xf32, #tpu.memory_space<vmem>>, %arg4: memref<1x256xf32, #tpu.memory_space<vmem>>, %arg5: memref<20224x128xf32, #tpu.memory_space<vmem>>) attributes {dimension_semantics = [], scalar_prefetch = 0 : i64, scratch_operands = 0 : i64, tpu.core_type = #tpu.core_type<tc>} {
    %get3A = arith.constant 0 : index
    %get3A_0 = arith.constant 0 : index
    %get3A_1 = vector.load %arg2[%get3A, %get3A_0] : memref<10000x1xf32, #tpu.memory_space<vmem>>, vector<10000x1xf32>
    %get3A_2 = arith.constant 0 : index
    %get3A_3 = arith.constant 0 : index
    %get3A_4 = vector.load %arg0[%get3A_2, %get3A_3] : memref<20224x128xf32, #tpu.memory_space<vmem>>, vector<10000x128xf32>
    %get3A_5 = arith.constant 10112 : index
    %get3A_6 = arith.constant 0 : index
    %get3A_7 = vector.load %arg0[%get3A_5, %get3A_6] : memref<20224x128xf32, #tpu.memory_space<vmem>>, vector<10000x128xf32>
    %add3A = arith.addf %get3A_4, %get3A_7 : vector<10000x128xf32>
    %get3A_8 = arith.constant 0 : index
    %get3A_9 = arith.constant 0 : index
    %get3A_10 = vector.load %arg1[%get3A_8, %get3A_9] : memref<10112x128xf32, #tpu.memory_space<vmem>>, vector<10000x128xf32>
    %add3A_11 = arith.addf %add3A, %get3A_10 : vector<10000x128xf32>
    %mul3A = vector.broadcast %get3A_1 : vector<10000x1xf32> to vector<10000x128xf32>
    %mul3A_12 = arith.mulf %add3A_11, %mul3A : vector<10000x128xf32>
    %get3A_13 = arith.constant 0 : index
    %get3A_14 = arith.constant 0 : index
    %get3A_15 = vector.load %arg3[%get3A_13, %get3A_14] : memref<128x256xf32, #tpu.memory_space<vmem>>, vector<128x256xf32>
    %dot_general3A = arith.constant dense<0.000000e+00> : vector<10000x256xf32>
    %dot_general3A_16 = tpu.matmul %mul3A_12, %get3A_15, %dot_general3A {dimension_numbers = #tpu.dot_dimension_numbers<[1], [0], [0], [1], [0, 0, 1, 1], [], []>, transpose_lhs_hint = false} : vector<10000x128xf32>, vector<128x256xf32>, vector<10000x256xf32> -> vector<10000x256xf32>
    %get3A_17 = arith.constant 0 : index
    %get3A_18 = arith.constant 0 : index
    %get3A_19 = vector.load %arg4[%get3A_17, %get3A_18] : memref<1x256xf32, #tpu.memory_space<vmem>>, vector<1x256xf32>
    %add3A_20 = vector.broadcast %get3A_19 : vector<1x256xf32> to vector<10000x256xf32>
    %add3A_21 = arith.addf %dot_general3A_16, %add3A_20 : vector<10000x256xf32>
    %gt3A = arith.constant 0.000000e+00 : f32
    %gt3A_22 = vector.broadcast %gt3A : f32 to vector<10000x256xf32>
    %gt3A_23 = arith.cmpf ogt, %add3A_21, %gt3A_22 : vector<10000x256xf32>
    %min3A = arith.constant 0.000000e+00 : f32
    %min3A_24 = vector.broadcast %min3A : f32 to vector<10000x256xf32>
    %min3A_25 = arith.minimumf %add3A_21, %min3A_24 : vector<10000x256xf32>
    %exp3A = math.exp %min3A_25 : vector<10000x256xf32>
    %sub3A = arith.constant 1.000000e+00 : f32
    %sub3A_26 = vector.broadcast %sub3A : f32 to vector<10000x256xf32>
    %sub3A_27 = arith.subf %exp3A, %sub3A_26 : vector<10000x256xf32>
    %select_n3A = arith.select %gt3A_23, %add3A_21, %sub3A_27 : vector<10000x256xi1>, vector<10000x256xf32>
    %mul3A_28 = vector.broadcast %get3A_1 : vector<10000x1xf32> to vector<10000x256xf32>
    %mul3A_29 = arith.mulf %select_n3A, %mul3A_28 : vector<10000x256xf32>
    %slice3A = vector.extract_strided_slice %mul3A_29 {offsets = [0, 0], sizes = [10000, 128], strides = [1, 1]} : vector<10000x256xf32> to vector<10000x128xf32>
    %swap3A = arith.constant 0 : index
    %swap3A_30 = arith.constant 0 : index
    %swap3A_31 = vector.load %arg5[%swap3A, %swap3A_30] : memref<20224x128xf32, #tpu.memory_space<vmem>>, vector<10000x128xf32>
    tpu.vector_store %arg5[%swap3A, %swap3A_30], %slice3A {strides = array<i32>} : memref<20224x128xf32, #tpu.memory_space<vmem>>, vector<10000x128xf32>,
    %slice3A_32 = vector.extract_strided_slice %mul3A_29 {offsets = [0, 128], sizes = [10000, 128], strides = [1, 1]} : vector<10000x256xf32> to vector<10000x128xf32>
    %swap3A_33 = arith.constant 10112 : index
    %swap3A_34 = arith.constant 0 : index
    %swap3A_35 = vector.load %arg5[%swap3A_33, %swap3A_34] : memref<20224x128xf32, #tpu.memory_space<vmem>>, vector<10000x128xf32>
    tpu.vector_store %arg5[%swap3A_33, %swap3A_34], %slice3A_32 {strides = array<i32>} : memref<20224x128xf32, #tpu.memory_space<vmem>>, vector<10000x128xf32>,
    return
  }
}

module attributes {stable_mosaic.version = 14 : i64} {
  func.func @_tc_head_body(%arg0: memref<20224x128xf32, #tpu.memory_space<vmem>>, %arg1: memref<20224x128xf32, #tpu.memory_space<vmem>>, %arg2: memref<10000x1xf32, #tpu.memory_space<vmem>>, %arg3: memref<256x128xf32, #tpu.memory_space<vmem>>, %arg4: memref<1x128xf32, #tpu.memory_space<vmem>>, %arg5: memref<256x128xf32, #tpu.memory_space<vmem>>, %arg6: memref<1x128xf32, #tpu.memory_space<vmem>>, %arg7: memref<1x10000xi32, #tpu.memory_space<vmem>>, %arg8: memref<64x128xf32, #tpu.memory_space<vmem>>, %arg9: memref<64x128xf32, #tpu.memory_space<vmem>>) attributes {dimension_semantics = [], scalar_prefetch = 0 : i64, scratch_operands = 0 : i64, tpu.core_type = #tpu.core_type<tc>} {
    %get3A = arith.constant 0 : index
    %get3A_0 = arith.constant 0 : index
    %get3A_1 = vector.load %arg2[%get3A, %get3A_0] : memref<10000x1xf32, #tpu.memory_space<vmem>>, vector<10000x1xf32>
    %get3A_2 = arith.constant 0 : index
    %get3A_3 = arith.constant 0 : index
    %get3A_4 = vector.load %arg0[%get3A_2, %get3A_3] : memref<20224x128xf32, #tpu.memory_space<vmem>>, vector<20224x128xf32>
    %get3A_5 = arith.constant 0 : index
    %get3A_6 = arith.constant 0 : index
    %get3A_7 = vector.load %arg1[%get3A_5, %get3A_6] : memref<20224x128xf32, #tpu.memory_space<vmem>>, vector<20224x128xf32>
    %add3A = arith.addf %get3A_4, %get3A_7 : vector<20224x128xf32>
    %slice3A = vector.extract_strided_slice %add3A {offsets = [0, 0], sizes = [10000, 128], strides = [1, 1]} : vector<20224x128xf32> to vector<10000x128xf32>
    %slice3A_8 = vector.extract_strided_slice %add3A {offsets = [10112, 0], sizes = [10000, 128], strides = [1, 1]} : vector<20224x128xf32> to vector<10000x128xf32>
    %concatenate3A = tpu.concatenate %slice3A, %slice3A_8 in 1 : vector<10000x128xf32>, vector<10000x128xf32> -> vector<10000x256xf32>
    %mul3A = vector.broadcast %get3A_1 : vector<10000x1xf32> to vector<10000x256xf32>
    %mul3A_9 = arith.mulf %concatenate3A, %mul3A : vector<10000x256xf32>
    %get3A_10 = arith.constant 0 : index
    %get3A_11 = arith.constant 0 : index
    %get3A_12 = vector.load %arg3[%get3A_10, %get3A_11] : memref<256x128xf32, #tpu.memory_space<vmem>>, vector<256x128xf32>
    %dot_general3A = arith.constant dense<0.000000e+00> : vector<10000x128xf32>
    %dot_general3A_13 = tpu.matmul %mul3A_9, %get3A_12, %dot_general3A {dimension_numbers = #tpu.dot_dimension_numbers<[1], [0], [0], [1], [0, 0, 1, 1], [], []>, transpose_lhs_hint = false} : vector<10000x256xf32>, vector<256x128xf32>, vector<10000x128xf32> -> vector<10000x128xf32>
    %get3A_14 = arith.constant 0 : index
    %get3A_15 = arith.constant 0 : index
    %get3A_16 = vector.load %arg4[%get3A_14, %get3A_15] : memref<1x128xf32, #tpu.memory_space<vmem>>, vector<1x128xf32>
    %add3A_17 = vector.broadcast %get3A_16 : vector<1x128xf32> to vector<10000x128xf32>
    %add3A_18 = arith.addf %dot_general3A_13, %add3A_17 : vector<10000x128xf32>
    %gt3A = arith.constant 0.000000e+00 : f32
    %gt3A_19 = vector.broadcast %gt3A : f32 to vector<10000x128xf32>
    %gt3A_20 = arith.cmpf ogt, %add3A_18, %gt3A_19 : vector<10000x128xf32>
    %min3A = arith.constant 0.000000e+00 : f32
    %min3A_21 = vector.broadcast %min3A : f32 to vector<10000x128xf32>
    %min3A_22 = arith.minimumf %add3A_18, %min3A_21 : vector<10000x128xf32>
    %exp3A = math.exp %min3A_22 : vector<10000x128xf32>
    %sub3A = arith.constant 1.000000e+00 : f32
    %sub3A_23 = vector.broadcast %sub3A : f32 to vector<10000x128xf32>
    %sub3A_24 = arith.subf %exp3A, %sub3A_23 : vector<10000x128xf32>
    %select_n3A = arith.select %gt3A_20, %add3A_18, %sub3A_24 : vector<10000x128xi1>, vector<10000x128xf32>
    %get3A_25 = arith.constant 0 : index
    %get3A_26 = arith.constant 0 : index
    %get3A_27 = vector.load %arg5[%get3A_25, %get3A_26] : memref<256x128xf32, #tpu.memory_space<vmem>>, vector<256x128xf32>
    %dot_general3A_28 = arith.constant dense<0.000000e+00> : vector<10000x128xf32>
    %dot_general3A_29 = tpu.matmul %mul3A_9, %get3A_27, %dot_general3A_28 {dimension_numbers = #tpu.dot_dimension_numbers<[1], [0], [0], [1], [0, 0, 1, 1], [], []>, transpose_lhs_hint = false} : vector<10000x256xf32>, vector<256x128xf32>, vector<10000x128xf32> -> vector<10000x128xf32>
    %get3A_30 = arith.constant 0 : index
    %get3A_31 = arith.constant 0 : index
    %get3A_32 = vector.load %arg6[%get3A_30, %get3A_31] : memref<1x128xf32, #tpu.memory_space<vmem>>, vector<1x128xf32>
    %add3A_33 = vector.broadcast %get3A_32 : vector<1x128xf32> to vector<10000x128xf32>
    %add3A_34 = arith.addf %dot_general3A_29, %add3A_33 : vector<10000x128xf32>
    %gt3A_35 = arith.constant 0.000000e+00 : f32
    %gt3A_36 = vector.broadcast %gt3A_35 : f32 to vector<10000x128xf32>
    %gt3A_37 = arith.cmpf ogt, %add3A_34, %gt3A_36 : vector<10000x128xf32>
    %min3A_38 = arith.constant 0.000000e+00 : f32
    %min3A_39 = vector.broadcast %min3A_38 : f32 to vector<10000x128xf32>
    %min3A_40 = arith.minimumf %add3A_34, %min3A_39 : vector<10000x128xf32>
    %exp3A_41 = math.exp %min3A_40 : vector<10000x128xf32>
    %sub3A_42 = arith.constant 1.000000e+00 : f32
    %sub3A_43 = vector.broadcast %sub3A_42 : f32 to vector<10000x128xf32>
    %sub3A_44 = arith.subf %exp3A_41, %sub3A_43 : vector<10000x128xf32>
    %select_n3A_45 = arith.select %gt3A_37, %add3A_34, %sub3A_44 : vector<10000x128xi1>, vector<10000x128xf32>
    %iota3A = tpu.iota {dimensions = array<i32: 0>} : vector<64x10000xi32>
    %get3A_46 = arith.constant 0 : index
    %get3A_47 = arith.constant 0 : index
    %get3A_48 = vector.load %arg7[%get3A_46, %get3A_47] : memref<1x10000xi32, #tpu.memory_space<vmem>>, vector<1x10000xi32>
    %eq3A = vector.broadcast %get3A_48 : vector<1x10000xi32> to vector<64x10000xi32>
    %eq3A_49 = arith.cmpi eq, %iota3A, %eq3A : vector<64x10000xi32>
    %convert_element_type3A = arith.extui %eq3A_49 : vector<64x10000xi1> to vector<64x10000xi32>
    %convert_element_type3A_50 = arith.sitofp %convert_element_type3A : vector<64x10000xi32> to vector<64x10000xf32>
    %reduce_sum3A = arith.constant dense<0.000000e+00> : vector<64xf32>
    %reduce_sum3A_51 = vector.multi_reduction <add>, %convert_element_type3A_50, %reduce_sum3A [1] : vector<64x10000xf32> to vector<64xf32>
    %broadcast_in_dim3A = vector.shape_cast %reduce_sum3A_51 : vector<64xf32> to vector<64x1xf32>
    %max3A = arith.constant 1.000000e+00 : f32
    %max3A_52 = vector.broadcast %max3A : f32 to vector<64x1xf32>
    %max3A_53 = arith.maximumf %broadcast_in_dim3A, %max3A_52 : vector<64x1xf32>
    %div3A = arith.constant 1.000000e+00 : f32
    %div3A_54 = vector.broadcast %div3A : f32 to vector<64x1xf32>
    %div3A_55 = arith.divf %div3A_54, %max3A_53 : vector<64x1xf32>
    %dot_general3A_56 = arith.constant dense<0.000000e+00> : vector<64x128xf32>
    %dot_general3A_57 = tpu.matmul %convert_element_type3A_50, %select_n3A, %dot_general3A_56 {dimension_numbers = #tpu.dot_dimension_numbers<[1], [0], [0], [1], [0, 0, 1, 1], [], []>, transpose_lhs_hint = false} : vector<64x10000xf32>, vector<10000x128xf32>, vector<64x128xf32> -> vector<64x128xf32>
    %mul3A_58 = vector.broadcast %div3A_55 : vector<64x1xf32> to vector<64x128xf32>
    %mul3A_59 = arith.mulf %dot_general3A_57, %mul3A_58 : vector<64x128xf32>
    %swap3A = arith.constant 0 : index
    %swap3A_60 = arith.constant 0 : index
    %swap3A_61 = vector.load %arg8[%swap3A, %swap3A_60] : memref<64x128xf32, #tpu.memory_space<vmem>>, vector<64x128xf32>
    tpu.vector_store %arg8[%swap3A, %swap3A_60], %mul3A_59 {strides = array<i32>} : memref<64x128xf32, #tpu.memory_space<vmem>>, vector<64x128xf32>,
    %dot_general3A_62 = arith.constant dense<0.000000e+00> : vector<64x128xf32>
    %dot_general3A_63 = tpu.matmul %convert_element_type3A_50, %select_n3A_45, %dot_general3A_62 {dimension_numbers = #tpu.dot_dimension_numbers<[1], [0], [0], [1], [0, 0, 1, 1], [], []>, transpose_lhs_hint = false} : vector<64x10000xf32>, vector<10000x128xf32>, vector<64x128xf32> -> vector<64x128xf32>
    %mul3A_64 = vector.broadcast %div3A_55 : vector<64x1xf32> to vector<64x128xf32>
    %mul3A_65 = arith.mulf %dot_general3A_63, %mul3A_64 : vector<64x128xf32>
    %swap3A_66 = arith.constant 0 : index
    %swap3A_67 = arith.constant 0 : index
    %swap3A_68 = vector.load %arg9[%swap3A_66, %swap3A_67] : memref<64x128xf32, #tpu.memory_space<vmem>>, vector<64x128xf32>
    tpu.vector_store %arg9[%swap3A_66, %swap3A_67], %mul3A_65 {strides = array<i32>} : memref<64x128xf32, #tpu.memory_space<vmem>>, vector<64x128xf32>,
    return
  }
}

</mosaic_0001>

<sc_bundles>
// kernel: kernel.11.cloned.1.call-start
scs
__scs_entry_jumppad:
0x0: {  	(pc) =	sbr.rel $0x88, $3  }
0x1: {  	(tag) =	ssettag $0x0;
	lr =	simm.s32 $0x1  }
0x2: {  	[smem:$0x3F98] =	sst lr;
	_ =	strace $0xD0000000  }
0x3: {  	_ = 	snop  }
0x4: {  	_ = 	snop  }
0x5: {  	_ = 	snop  }
0x6: {  	_ = 	snop  }
0x7: {  	_ = 	snop  }
__scs_overlays_trampoline_lowered:
0x8: {  	[smem:$0x3FA7] =	sst s0  }
0x9: {  	[smem:$0x3FA8] =	sst s1  }
0xa: {  	[smem:$0x3FA9] =	sst s2  }
0xb: {  	[smem:$0x3FAA] =	sst s3  }
0xc: {  	[smem:$0x3FAB] =	sst s4  }
0xd: {  	[smem:$0x3FAC] =	sst s5  }
0xe: {  	[smem:$0x3FAD] =	sst s6  }
0xf: {  	[smem:$0x3FAE] =	sst s7  }
0x10: {  	[smem:$0x3FAF] =	sst s8  }
0x11: {  	[smem:$0x3FB0] =	sst s9;
	s0 =	simm.s32 @!p0 $0x0  }
0x12: {  	s1 =	sld [smem:$0x3F96];
	s0 =	simm.s32 @p0 $0x1  }
0x13: {  	[smem:$0x3FB1] =	sst s0;
	s0 =	simm.s32 @!p1 $0x0  }
0x14: {  	s2 =	sld [smem:$0x3F95];
	s0 =	simm.s32 @p1 $0x1  }
0x15: {  	[smem:$0x3FB2] =	sst s0;
	s0 =	simm.s32 @!p2 $0x0  }
0x16: {  	s3 =	sld [smem:$0x3FDB];
	s0 =	simm.s32 @p2 $0x1  }
0x17: {  	s4 =	simm.s32 $0x1BF5;
	[smem:$0x3FB4] =	sst s0  }
0x18: {  	s0 =	sld [smem:$0x3F97];
	_ =	swait.ge [sflag:s4], $0x0  }
0x19: {  	s7 =	sld [smem:$0x3F98]  }
0x1a: {  	s8 =	sadd.s32 $0xFFFFE003, lr  }
0x1b: {  	s9 =	sadd.s32 $0xFFFFFEF7, lr;
	s5 =	simm.s32 $0xFFFFFFFF;
	p2 =	slt.u32 s8, $0xFFFFF086  }
0x1c: {  	p1 =	slt.u32 s9, $0xF7A;
	s5 =	simm.s32 @!p2 $0x0  }
0x1d: {  	s5 =	simm.s32 @p1 $0x1;
	p0 =	seq.s32 s7, s2  }
0x1e: {  	s7 =	smul.u32 @!p0 $0xF7A, s2;
	p2 =	seq.s32 @!p0 s5, $0x0  }
0x1f: {  	s9 =	smul.u32 $0xF7A, s1;
	s8 =	simm.s32 @!p0 $0x1BF5;
	p2 =	por !p2, p0  }
0x20: {  	[sflag:s8] =	ssyncset.s32 @!p0 $0xFFFFF086;
	s6 =	sadd.s32 @!p0 s3, s7;
	s7 =	simm.s32 @!p0 $0x108  }
0x21: {  	s3 =	sadd.s32 s3, s9;
	s6 =	sadd.s32 @!p0 $0x88, s6;
	s7 =	simm.s32 @p2 $0x1082  }
0x22: {  	[simem:s7], [sflag:s8] =	dma.local @!p0 [hbm:s6], $0xF7A  }
0x23: {  	s9 =	sor.u32 $0xD0000000, s2;
	s6 =	simm.s32 $0x108;
	_ =	swait.ge @!p0 [sflag:s8], $0x0  }
0x24: {  	s3 =	sadd.s32 $0x88, s3;
	s6 =	simm.s32 @!p1 $0x1082;
	[sflag:s4] =	ssyncset.s32 $0xFFFFF086  }
0x25: {  	[simem:s6], [sflag:s4] =	dma.local [hbm:s3], $0xF7A  }
0x26: {  	[smem:$0x3F98] =	sst s1;
	(tag) =	ssettag s2;
	_ =	strace s9  }
0x27: {  	s1 =	sld [smem:$0x3FA8]  }
0x28: {  	s2 =	sld [smem:$0x3FA9]  }
0x29: {  	s4 =	sld [smem:$0x3FAB]  }
0x2a: {  	p0 =	seq.s32 s5, $0x0;
	s5 =	sld [smem:$0x3FAC]  }
0x2b: {  	s6 =	sld [smem:$0x3FAD]  }
0x2c: {  	s7 =	sld [smem:$0x3FAE]  }
0x2d: {  	s3 =	simm.s32 $0x108;
	s8 =	sld [smem:$0x3FAF]  }
0x2e: {  	s3 =	simm.s32 @!p0 $0x1082;
	s9 =	sld [smem:$0x3FB0]  }
0x2f: {  	lr =	sadd.s32 s0, s3;
	s0 =	sld [smem:$0x3FA7]  }
0x30: {  	s3 =	sld [smem:$0x3FAA]  }
0x31: {  	[smem:$0x3FB3] =	sst s10  }
0x32: {  	s10 =	sld [smem:$0x3FB1];
	_ =	sdelay $0x3  }
0x33: {  	p0 =	seq.s32 s10, $0x1;
	s10 =	sld [smem:$0x3FB3];
	_ =	sdelay $0x3  }
0x34: {  	[smem:$0x3FB3] =	sst s10  }
0x35: {  	s10 =	sld [smem:$0x3FB2];
	_ =	sdelay $0x3  }
0x36: {  	p1 =	seq.s32 s10, $0x1;
	s10 =	sld [smem:$0x3FB3];
	_ =	sdelay $0x3  }
0x37: {  	[smem:$0x3FB3] =	sst s10  }
0x38: {  	s10 =	sld [smem:$0x3FB4]  }
0x39: {  	_ = 	snop;
	(pc) =	sbr.ind lr, $3  }
0x3a: {  	_ = 	snop  }
0x3b: {  	_ = 	snop  }
0x3c: {  	p2 =	seq.s32 s10, $0x1;
	s10 =	sld [smem:$0x3FB3]  }
0x3d: {  	_ =	shalt  }
0x3e: {  	_ =	shalt  }
0x3f: {  	_ =	shalt  }
0x40: {  	_ =	shalt  }
0x41: {  	_ =	shalt  }
0x42: {  	_ =	shalt  }
0x43: {  	_ =	shalt  }
0x44: {  	_ =	shalt  }
0x45: {  	_ =	shalt  }
0x46: {  	_ =	shalt  }
0x47: {  	_ =	shalt  }
0x48: {  	_ =	shalt  }
0x49: {  	_ =	shalt  }
0x4a: {  	_ =	shalt  }
0x4b: {  	_ =	shalt  }
0x4c: {  	_ =	shalt  }
0x4d: {  	_ =	shalt  }
0x4e: {  	_ =	shalt  }
0x4f: {  	_ =	shalt  }
0x50: {  	_ =	shalt  }
0x51: {  	_ =	shalt  }
0x52: {  	_ =	shalt  }
0x53: {  	_ =	shalt  }
0x54: {  	_ =	shalt  }
0x55: {  	_ =	shalt  }
0x56: {  	_ =	shalt  }
0x57: {  	_ =	shalt  }
0x58: {  	_ =	shalt  }
0x59: {  	_ =	shalt  }
0x5a: {  	_ =	shalt  }
0x5b: {  	_ =	shalt  }
0x5c: {  	_ =	shalt  }
0x5d: {  	_ =	shalt  }
0x5e: {  	_ =	shalt  }
0x5f: {  	_ =	shalt  }
0x60: {  	_ =	shalt  }
0x61: {  	_ =	shalt  }
0x62: {  	_ =	shalt  }
0x63: {  	_ =	shalt  }
0x64: {  	_ =	shalt  }
0x65: {  	_ =	shalt  }
0x66: {  	_ =	shalt  }
0x67: {  	_ =	shalt  }
0x68: {  	_ =	shalt  }
0x69: {  	_ =	shalt  }
0x6a: {  	_ =	shalt  }
0x6b: {  	_ =	shalt  }
0x6c: {  	_ =	shalt  }
0x6d: {  	_ =	shalt  }
0x6e: {  	_ =	shalt  }
0x6f: {  	_ =	shalt  }
0x70: {  	_ =	shalt  }
0x71: {  	_ =	shalt  }
0x72: {  	_ =	shalt  }
0x73: {  	_ =	shalt  }
0x74: {  	_ =	shalt  }
0x75: {  	_ =	shalt  }
0x76: {  	_ =	shalt  }
0x77: {  	_ =	shalt  }
0x78: {  	_ =	shalt  }
0x79: {  	_ =	shalt  }
0x7a: {  	_ =	shalt  }
0x7b: {  	_ =	shalt  }
0x7c: {  	_ =	shalt  }
0x7d: {  	_ =	shalt  }
0x7e: {  	_ =	shalt  }
0x7f: {  	_ =	shalt  }
0x80: {  	_ =	shalt  }
0x81: {  	_ =	shalt  }
0x82: {  	_ =	shalt  }
0x83: {  	_ =	shalt  }
0x84: {  	_ =	shalt  }
0x85: {  	_ =	shalt  }
0x86: {  	_ =	shalt  }
0x87: {  	_ =	shalt  }
.Lfunc_end0:
.L_simem_size_0:
called_computation.1_lowered:
.L_overlay_start_0:
0x88: {  	s2 =	sld [smem:$0x3FD9]  }
0x89: {  	s3 =	sld [smem:$0x3FFE];
	_ =	sdelay $0x1  }
0x8a: {  	s1 =	srdreg.scid  }
0x8b: {  	s0 =	sand.u32 $0x1, s1  }
0x8c: {  	s16 =	sshll.u32 s0, $0xA;
	s2 =	sadd.s32 s3, s2  }
0x8d: {  	s2 =	sadd.s32 s2, s16  }
0x8e: {  	[smem:$0x3FBF] =	sst s2  }
0x8f: {  	_ = 	snop  }
0x90: {  	(tm) =	ssettm $0x1  }
0x91: {  	s17 =	sld [smem:$0x3FFB];
	_ =	sdelay $0x3  }
0x92: {  	_ =	strace s17  }
0x93: {  	s2 =	sld [smem:$0x3FFC];
	_ =	sdelay $0x3  }
0x94: {  	_ =	strace s2  }
0x95: {  	s2 =	sld [smem:$0x3FFD];
	_ =	sdelay $0x3  }
0x96: {  	_ =	strace s2  }
0x97: {  	_ =	strace $0x8FFFFFFF  }
0x98: {  	s18 =	sld [smem:$0x3FDB];
	_ =	sdelay $0x1  }
0x99: {  	s19 =	simm.s32 $_scs_section_size  }
0x9a: {  	s4 =	simm.s32 $_size__tile_overlayer_lowered;
	s5 =	simm.s32 $_tile_overlayer_lowered  }
0x9b: {  	s22 =	simm.s32 $0x1BFF;
	s21 =	sshll.u32 s5, $0x1;
	s2 =	sadd.s32 s19, s18  }
0x9c: {  	s6 =	simm.s32 $0x0;
	s20 =	sshll.u32 s4, $0x1;
	s4 =	sadd.s32 s21, s2  }
0x9d: {  	[timem:s6], [sflag:s22] =	dma.local [hbm:s4], s20  }
0x9e: {  	_ =	swait.ge [sflag:s22], s20  }
0x9f: {  	s3 =	ssub.s32 $0x0, s20;
	[sflag:s22] =	ssyncset.done $0x0  }
0xa0: {  	[sflag:s22] =	ssyncadd.s32 s3;
	_ =	sdelay $0x1  }
0xa1: {  	s23 =	simm.s32 $0x1B8B  }
0xa2: {  	_ =	swait.ge [sflag:s23], $0x1  }
0xa3: {  	[sflag:s23] =	ssyncset.done $0x0  }
0xa4: {  	s25 =	simm.s32 $0x1B8E;
	s24 =	sld [smem:$0x3FFE];
	[sflag:s23] =	ssyncadd.s32 $0xFFFFFFFF  }
0xa5: {  	s26 =	simm.s32 $execute0_lowered;
	[smem:$0x3FD2] =	sst s25  }
0xa6: {  	s4 =	sshll.u32 s26, $0x1;
	_ =	strace $0x80000049;
	[dreg:$0x1] =	wrdreg $0xFFFFFFFF  }
0xa7: {  	s28 =	simm.s32 $_size_execute0_lowered;
	s2 =	sadd.s32 s2, s4;
	[dreg:$0x0] =	wrdreg $0x0  }
0xa8: {  	s4 =	sshll.u32 s28, $0x1;
	[dreg:$0x2] =	wrdreg s2  }
0xa9: {  	[dreg:$0x3] =	wrdreg s4  }
0xaa: {  	[dreg:$0x4] =	wrdreg $0xC0  }
0xab: {  	_ =	task [dreg:s6], $0x5FFFF  }
0xac: {  	[dreg:$0x1] =	wrdreg $0xFFFFFFFF  }
0xad: {  	[dreg:$0x0] =	wrdreg $0x60  }
0xae: {  	[dreg:$0x2] =	wrdreg s24  }
0xaf: {  	[dreg:$0x3] =	wrdreg $0x29000  }
0xb0: {  	[dreg:$0x4] =	wrdreg $0x9  }
0xb1: {  	_ =	task.clear_ibuf [dreg:s6], $0x5FFFF;
	_ =	strace $0x90000049  }
0xb2: {  	s29 =	simm.s32 $0x9;
	_ =	strace $0x8000004B  }
0xb3: {  	_ =	swait.ge [sflag:s29], $0x1  }
0xb4: {  	[sflag:s29] =	ssyncadd.s32 $0xFFFFFFFF  }
0xb5: {  	_ =	strace $0x9000004B  }
0xb6: {  	_ =	sfence  }
0xb7: {  	s30 =	sld [smem:$0x0];
	_ =	sdelay $0x2  }
0xb8: {  	s31 =	sshll.u32 s1, $0xD;
	s1 =	sshrl.u32 s1, $0x2  }
0xb9: {  	s3 =	sand.u32 $0x4000, s31;
	s1 =	sadd.s32 s1, s30  }
0xba: {  	s0 =	sor.u32 s3, s0;
	s1 =	sshll.u32 s1, $0x11  }
0xbb: {  	s0 =	sor.u32 s1, s0  }
0xbc: {  	s0 =	sadd.s32 $0x8F2B, s0  }
0xbd: {  	[sflag:s0] =	ssyncadd.remote.s32 $0x1  }
0xbe: {  	_ =	sfence.sel $0xFFFF  }
0xbf: {  	[dreg:$0x0] =	wrdreg $0xFFFFFFFF;
	(pc) =	sbr.abs _section_cstart, $3  }
0xc0: {  	[dreg:$0x1] =	wrdreg $0xFFFFFFFF  }
0xc1: {  	_ =	task.clear_ibuf [dreg:s6], $0x2FFFF;
	_ =	strace $0x9FFFFFFF  }
0xc2: {  	(tm) =	ssettm $0x7FFFFFFF  }
0xc3: {  	_ =	shalt  }
tec
execute0_lowered:
.L_overlay_start_1:
0x0: {  	(tag) =	ssettag $0x1  }
0x1: {  	s6 =	rddreg [dreg:$0x0]  }
0x2: {  	s0 =	srdreg.scid;
	s2 =	rddreg [dreg:$0x1]  }
0x3: {  	s1 =	rddreg [dreg:$0x2];
	s3 =	simm.s32 $0x0;
	s7 =	sand.u32 $0x1, s0  }
0x4: {  	s13 =	simm.s32 $0x80;
	s0 =	stileid.u32;
	s4 =	smul.u32 $0x27100, s7  }
0x5: {  	s14 =	simm.s32 $0x50;
	s15 =	simm.s32 $0x100;
	s5 =	smul.u32 $0x2710, s0  }
0x6: {  	s16 =	simm.s32 $0x1;
	[smem:$0x7FF] =	sst s3;
	s8 =	smul.u32 $0x2780, s0  }
0x7: {  	s17 =	simm.s32 $0x0;
	_ =	strace $0x8000004A;
	s9 =	smul.u32 $0x27800, s7  }
0x8: {  	s11 =	smul.u32 $0x4F000, s0;
	s7 =	ssub.s32 $0x2, s7;
	s31 =	sshll.u32 s0, $0x6  }
0x9: {  	s28 =	sshrl.u32 s7, $0x1;
	s4 =	sadd.s32 s5, s4;
	s8 =	sadd.s32 s8, s9  }
0xa: {  	s29 =	sshrl.u32 s11, $0x2;
	s30 =	ssub.s32 s7, s28;
	s5 =	sshrl.u32 s4, $0x3  }
0xb: {  	s4 =	sadd.s32 $0x23000, s6;
	s8 =	sadd.s32 s8, s6;
	s12 =	sadd.s32 s29, s2  }
0xc: {  	s10 =	sadd.s32 s5, s6;
	s5 =	sadd.s32 $0x20800, s6;
	s6 =	sor.u32 $0x1C02, s31  }
0xd: {  	s7 =	sadd.s32 $0x4A800, s8;
	s8 =	smax.u32 s30, $0x1;
	s11 =	sshrl.u32 s12, $0x3  }
0xe: {  	s12 =	simm.s32 $0x2;
	s9 =	sadd.s32 $0xCA00, s10;
	s10 =	sadd.s32 $0x2C00, s10  }
.LBB2_1:
0xf: {  	[spmem:s11], [sflag:s6] =	dma.local [hbm:s5], $0x2780  }
0x10: {  	_ =	swait.ge [sflag:s12], $0x2780  }
0x11: {  	[sflag:s12] =	ssyncset.done $0x0  }
0x12: {  	[sflag:s12] =	ssyncadd.s32 $0xFFFFD880  }
0x13: {  	s18 =	sadd.s32 $0x0, s10;
	[bflag:$0x0] =	sbarrier.arrive $0xFFFF  }
0x14: {  	[tilespmem:s3], [sflag:$0x2] =	stream.linear.gather [hbm4b:s18+s3], $0x50, $0x38;
	[tilespmem:$0x16500] =	vst v63  }
0x15: {  	_ =	swait.ge [sflag:s12], $0x50  }
0x16: {  	[sflag:s12] =	ssyncset.done $0x0  }
0x17: {  	s31 =	sadd.s32 $0x0, s9;
	[sflag:s12] =	ssyncadd.s32 $0xFFFFFFB0  }
0x18: {  	[tilespmem:s13], [sflag:$0x2] =	stream.linear.gather [hbm4b:s31+s3], $0x50, $0x38;
	[tilespmem:$0x16500] =	vst v63  }
0x19: {  	_ =	swait.ge [sflag:s12], $0x50  }
0x1a: {  	[sflag:s12] =	ssyncset.done $0x0  }
0x1b: {  	[sflag:s12] =	ssyncadd.s32 $0xFFFFFFB0  }
0x1c: {  	[tilespmem:s15], [sflag:$0x1] =	stream.indirect.gather [hbm4b:s4+s14], $0x80, s3, s14, $0xb8;
	[tilespmem:$0x16500] =	vst v63  }
0x1d: {  	_ =	swait.ge [sflag:s16], $0x2800  }
0x1e: {  	[sflag:s16] =	ssyncset.done $0x0  }
0x1f: {  	[sflag:s16] =	ssyncadd.s32 $0xFFFFD800  }
0x20: {  	[spmem:s2] =	stream.indirect.scatter.add.f32 [tilespmem:s15], [sflag:$0x2], $0x80, s13, s14, $0xb8;
	[tilespmem:$0x16500] =	vst v63  }
0x21: {  	_ =	swait.ge [sflag:s12], $0x2800  }
0x22: {  	s19 =	simm.s32 $0x14;
	s18 =	simm.s32 $0xA;
	[sflag:s12] =	ssyncset.done $0x0  }
.LBB2_2:
0x23: {  	s20 =	sadd.s32 s18, s10  }
0x24: {  	[sflag:s12] =	ssyncadd.s32 $0xFFFFD800;
	s21 =	smov.u32 s19;
	s22 =	sadd.s32 $0xA, s19  }
0x25: {  	[tilespmem:s3], [sflag:$0x2] =	stream.linear.gather [hbm4b:s20+s3], $0x50, $0x38;
	[tilespmem:$0x16500] =	vst v63  }
0x26: {  	p0 =	sne.s32 s19, $0x4D8;
	_ =	swait.ge [sflag:s12], $0x50  }
0x27: {  	[sflag:s12] =	ssyncset.done $0x0  }
0x28: {  	s19 =	sadd.s32 s18, s9;
	s18 =	smov.u32 s21;
	[sflag:s12] =	ssyncadd.s32 $0xFFFFFFB0  }
0x29: {  	[tilespmem:s13], [sflag:$0x2] =	stream.linear.gather [hbm4b:s19+s3], $0x50, $0x38;
	[tilespmem:$0x16500] =	vst v63  }
0x2a: {  	_ =	swait.ge [sflag:s12], $0x50  }
0x2b: {  	[sflag:s12] =	ssyncset.done $0x0  }
0x2c: {  	[sflag:s12] =	ssyncadd.s32 $0xFFFFFFB0  }
0x2d: {  	[tilespmem:s15], [sflag:$0x1] =	stream.indirect.gather [hbm4b:s4+s14], $0x80, s3, s14, $0xb8;
	[tilespmem:$0x16500] =	vst v63  }
0x2e: {  	_ =	swait.ge [sflag:s16], $0x2800  }
.Ltmp0:
0x2f: {  	[sflag:s16] =	ssyncset.done $0x0;
	(pc) =	sbr.rel @p0 .LBB2_2-.Ltmp0, $4  }
0x30: {  	[sflag:s16] =	ssyncadd.s32 $0xFFFFD800  }
0x31: {  	[spmem:s2] =	stream.indirect.scatter.add.f32 [tilespmem:s15], [sflag:$0x2], $0x80, s13, s14, $0xb8;
	[tilespmem:$0x16500] =	vst v63  }
0x32: {  	_ =	swait.ge [sflag:s12], $0x2800  }
0x33: {  	s19 =	smov.u32 s22;
	[sflag:s12] =	ssyncset.done $0x0  }
0x34: {  	s19 =	sadd.s32 s18, s10;
	[sflag:s12] =	ssyncadd.s32 $0xFFFFD800  }
0x35: {  	[tilespmem:s3], [sflag:$0x2] =	stream.linear.gather [hbm4b:s19+s3], $0x50, $0x38;
	[tilespmem:$0x16500] =	vst v63  }
0x36: {  	_ =	swait.ge [sflag:s12], $0x50  }
0x37: {  	[sflag:s12] =	ssyncset.done $0x0  }
0x38: {  	s31 =	sadd.s32 s18, s9;
	[sflag:s12] =	ssyncadd.s32 $0xFFFFFFB0  }
0x39: {  	[tilespmem:s13], [sflag:$0x2] =	stream.linear.gather [hbm4b:s31+s3], $0x50, $0x38;
	[tilespmem:$0x16500] =	vst v63  }
0x3a: {  	_ =	swait.ge [sflag:s12], $0x50  }
0x3b: {  	[sflag:s12] =	ssyncset.done $0x0  }
0x3c: {  	[sflag:s12] =	ssyncadd.s32 $0xFFFFFFB0  }
0x3d: {  	[tilespmem:s15], [sflag:$0x1] =	stream.indirect.gather [hbm4b:s4+s14], $0x80, s3, s14, $0xb8;
	[tilespmem:$0x16500] =	vst v63  }
0x3e: {  	_ =	swait.ge [sflag:s16], $0x2800  }
0x3f: {  	[sflag:s16] =	ssyncset.done $0x0  }
0x40: {  	[sflag:s16] =	ssyncadd.s32 $0xFFFFD800  }
0x41: {  	[spmem:s2] =	stream.indirect.scatter.add.f32 [tilespmem:s15], [sflag:$0x2], $0x80, s13, s14, $0xb8;
	[tilespmem:$0x16500] =	vst v63  }
0x42: {  	_ =	swait.ge [sflag:s12], $0x2800  }
0x43: {  	s17 =	sadd.s32 $0x1, s17;
	[sflag:s12] =	ssyncset.done $0x0  }
0x44: {  	p0 =	sne.s32 s17, s8;
	[sflag:s12] =	ssyncadd.s32 $0xFFFFD800  }
.Ltmp1:
0x45: {  	[bflag:$0x0] =	sbarrier.arrive $0xFFFF;
	(pc) =	sbr.rel @p0 .LBB2_1-.Ltmp1, $4  }
0x46: {  	[hbm:s7], [sflag:s6] =	dma.local [spmem:s11], $0x2780  }
0x47: {  	_ =	swait.ge [sflag:s12], $0x2780  }
0x48: {  	[sflag:s12] =	ssyncset.done $0x0  }
0x49: {  	[sflag:s12] =	ssyncadd.s32 $0xFFFFD880  }
0x4a: {  	_ =	sfence.sel $0x180000  }
0x4b: {  	[bflag:$0x0] =	sbarrier.arrive $0xFFFF  }
0x4c: {  	p0 =	sne.s32 s0, $0x0;
	_ =	strace $0x9000004A  }
0x4d: {  	s0 =	sadd.s32 @!p0 $0x100000, s1;
	[bflag:$0x2] =	sbarrier.arrive $0xFFFF  }
0x4e: {  	[sflag:s0] =	ssyncadd.tile.s32 @!p0 $0x1;
	_ =	shalt  }
.Lfunc_end2:
_tile_overlayer_lowered:
.L_overlay_start_2:
0x4f: {  	(tag) =	ssettag $0x2  }
0x50: {  	s0 =	rddreg [dreg:$0x0];
	s2 =	stileid.u32  }
0x51: {  	s1 =	rddreg [dreg:$0x1];
	p0 =	sne.s32 s2, $0x0  }
0x52: {  	s3 =	rddreg [dreg:$0x2];
	[bflag:$0x3] =	sbarrier.arrive $0xFFFF;
	s2 =	simm.s32 @!p0 $0x1C02  }
0x53: {  	[timem:s3], [sflag:s2] =	dma.local @!p0 [hbm:s0], s1  }
0x54: {  	s0 =	simm.s32 @!p0 $0x2  }
0x55: {  	_ =	swait.ge @!p0 [sflag:s0], s1  }
0x56: {  	s1 =	ssub.s32 @!p0 $0x0, s1;
	[sflag:s0] =	ssyncset.done @!p0 $0x0  }
0x57: {  	[sflag:s0] =	ssyncadd.s32 @!p0 s1  }
0x58: {  	[bflag:$0x3] =	sbarrier.arrive $0xFFFF  }
0x59: {  	_ =	shalt  }

// kernel: kernel.14.cloned.1.call-start
scs
__scs_entry_jumppad:
0x0: {  	(pc) =	sbr.rel $0x88, $3  }
0x1: {  	(tag) =	ssettag $0x0;
	lr =	simm.s32 $0x1  }
0x2: {  	[smem:$0x3F98] =	sst lr;
	_ =	strace $0xD0000000  }
0x3: {  	_ = 	snop  }
0x4: {  	_ = 	snop  }
0x5: {  	_ = 	snop  }
0x6: {  	_ = 	snop  }
0x7: {  	_ = 	snop  }
__scs_overlays_trampoline_lowered:
0x8: {  	[smem:$0x3FA7] =	sst s0  }
0x9: {  	[smem:$0x3FA8] =	sst s1  }
0xa: {  	[smem:$0x3FA9] =	sst s2  }
0xb: {  	[smem:$0x3FAA] =	sst s3  }
0xc: {  	[smem:$0x3FAB] =	sst s4  }
0xd: {  	[smem:$0x3FAC] =	sst s5  }
0xe: {  	[smem:$0x3FAD] =	sst s6  }
0xf: {  	[smem:$0x3FAE] =	sst s7  }
0x10: {  	[smem:$0x3FAF] =	sst s8  }
0x11: {  	[smem:$0x3FB0] =	sst s9;
	s0 =	simm.s32 @!p0 $0x0  }
0x12: {  	s1 =	sld [smem:$0x3F96];
	s0 =	simm.s32 @p0 $0x1  }
0x13: {  	[smem:$0x3FB1] =	sst s0;
	s0 =	simm.s32 @!p1 $0x0  }
0x14: {  	s2 =	sld [smem:$0x3F95];
	s0 =	simm.s32 @p1 $0x1  }
0x15: {  	[smem:$0x3FB2] =	sst s0;
	s0 =	simm.s32 @!p2 $0x0  }
0x16: {  	s3 =	sld [smem:$0x3FDB];
	s0 =	simm.s32 @p2 $0x1  }
0x17: {  	s4 =	simm.s32 $0x1BF5;
	[smem:$0x3FB4] =	sst s0  }
0x18: {  	s0 =	sld [smem:$0x3F97];
	_ =	swait.ge [sflag:s4], $0x0  }
0x19: {  	s7 =	sld [smem:$0x3F98]  }
0x1a: {  	s8 =	sadd.s32 $0xFFFFE003, lr  }
0x1b: {  	s9 =	sadd.s32 $0xFFFFFEF7, lr;
	s5 =	simm.s32 $0xFFFFFFFF;
	p2 =	slt.u32 s8, $0xFFFFF086  }
0x1c: {  	p1 =	slt.u32 s9, $0xF7A;
	s5 =	simm.s32 @!p2 $0x0  }
0x1d: {  	s5 =	simm.s32 @p1 $0x1;
	p0 =	seq.s32 s7, s2  }
0x1e: {  	s7 =	smul.u32 @!p0 $0xF7A, s2;
	p2 =	seq.s32 @!p0 s5, $0x0  }
0x1f: {  	s9 =	smul.u32 $0xF7A, s1;
	s8 =	simm.s32 @!p0 $0x1BF5;
	p2 =	por !p2, p0  }
0x20: {  	[sflag:s8] =	ssyncset.s32 @!p0 $0xFFFFF086;
	s6 =	sadd.s32 @!p0 s3, s7;
	s7 =	simm.s32 @!p0 $0x108  }
0x21: {  	s3 =	sadd.s32 s3, s9;
	s6 =	sadd.s32 @!p0 $0x88, s6;
	s7 =	simm.s32 @p2 $0x1082  }
0x22: {  	[simem:s7], [sflag:s8] =	dma.local @!p0 [hbm:s6], $0xF7A  }
0x23: {  	s9 =	sor.u32 $0xD0000000, s2;
	s6 =	simm.s32 $0x108;
	_ =	swait.ge @!p0 [sflag:s8], $0x0  }
0x24: {  	s3 =	sadd.s32 $0x88, s3;
	s6 =	simm.s32 @!p1 $0x1082;
	[sflag:s4] =	ssyncset.s32 $0xFFFFF086  }
0x25: {  	[simem:s6], [sflag:s4] =	dma.local [hbm:s3], $0xF7A  }
0x26: {  	[smem:$0x3F98] =	sst s1;
	(tag) =	ssettag s2;
	_ =	strace s9  }
0x27: {  	s1 =	sld [smem:$0x3FA8]  }
0x28: {  	s2 =	sld [smem:$0x3FA9]  }
0x29: {  	s4 =	sld [smem:$0x3FAB]  }
0x2a: {  	p0 =	seq.s32 s5, $0x0;
	s5 =	sld [smem:$0x3FAC]  }
0x2b: {  	s6 =	sld [smem:$0x3FAD]  }
0x2c: {  	s7 =	sld [smem:$0x3FAE]  }
0x2d: {  	s3 =	simm.s32 $0x108;
	s8 =	sld [smem:$0x3FAF]  }
0x2e: {  	s3 =	simm.s32 @!p0 $0x1082;
	s9 =	sld [smem:$0x3FB0]  }
0x2f: {  	lr =	sadd.s32 s0, s3;
	s0 =	sld [smem:$0x3FA7]  }
0x30: {  	s3 =	sld [smem:$0x3FAA]  }
0x31: {  	[smem:$0x3FB3] =	sst s10  }
0x32: {  	s10 =	sld [smem:$0x3FB1];
	_ =	sdelay $0x3  }
0x33: {  	p0 =	seq.s32 s10, $0x1;
	s10 =	sld [smem:$0x3FB3];
	_ =	sdelay $0x3  }
0x34: {  	[smem:$0x3FB3] =	sst s10  }
0x35: {  	s10 =	sld [smem:$0x3FB2];
	_ =	sdelay $0x3  }
0x36: {  	p1 =	seq.s32 s10, $0x1;
	s10 =	sld [smem:$0x3FB3];
	_ =	sdelay $0x3  }
0x37: {  	[smem:$0x3FB3] =	sst s10  }
0x38: {  	s10 =	sld [smem:$0x3FB4]  }
0x39: {  	_ = 	snop;
	(pc) =	sbr.ind lr, $3  }
0x3a: {  	_ = 	snop  }
0x3b: {  	_ = 	snop  }
0x3c: {  	p2 =	seq.s32 s10, $0x1;
	s10 =	sld [smem:$0x3FB3]  }
0x3d: {  	_ =	shalt  }
0x3e: {  	_ =	shalt  }
0x3f: {  	_ =	shalt  }
0x40: {  	_ =	shalt  }
0x41: {  	_ =	shalt  }
0x42: {  	_ =	shalt  }
0x43: {  	_ =	shalt  }
0x44: {  	_ =	shalt  }
0x45: {  	_ =	shalt  }
0x46: {  	_ =	shalt  }
0x47: {  	_ =	shalt  }
0x48: {  	_ =	shalt  }
0x49: {  	_ =	shalt  }
0x4a: {  	_ =	shalt  }
0x4b: {  	_ =	shalt  }
0x4c: {  	_ =	shalt  }
0x4d: {  	_ =	shalt  }
0x4e: {  	_ =	shalt  }
0x4f: {  	_ =	shalt  }
0x50: {  	_ =	shalt  }
0x51: {  	_ =	shalt  }
0x52: {  	_ =	shalt  }
0x53: {  	_ =	shalt  }
0x54: {  	_ =	shalt  }
0x55: {  	_ =	shalt  }
0x56: {  	_ =	shalt  }
0x57: {  	_ =	shalt  }
0x58: {  	_ =	shalt  }
0x59: {  	_ =	shalt  }
0x5a: {  	_ =	shalt  }
0x5b: {  	_ =	shalt  }
0x5c: {  	_ =	shalt  }
0x5d: {  	_ =	shalt  }
0x5e: {  	_ =	shalt  }
0x5f: {  	_ =	shalt  }
0x60: {  	_ =	shalt  }
0x61: {  	_ =	shalt  }
0x62: {  	_ =	shalt  }
0x63: {  	_ =	shalt  }
0x64: {  	_ =	shalt  }
0x65: {  	_ =	shalt  }
0x66: {  	_ =	shalt  }
0x67: {  	_ =	shalt  }
0x68: {  	_ =	shalt  }
0x69: {  	_ =	shalt  }
0x6a: {  	_ =	shalt  }
0x6b: {  	_ =	shalt  }
0x6c: {  	_ =	shalt  }
0x6d: {  	_ =	shalt  }
0x6e: {  	_ =	shalt  }
0x6f: {  	_ =	shalt  }
0x70: {  	_ =	shalt  }
0x71: {  	_ =	shalt  }
0x72: {  	_ =	shalt  }
0x73: {  	_ =	shalt  }
0x74: {  	_ =	shalt  }
0x75: {  	_ =	shalt  }
0x76: {  	_ =	shalt  }
0x77: {  	_ =	shalt  }
0x78: {  	_ =	shalt  }
0x79: {  	_ =	shalt  }
0x7a: {  	_ =	shalt  }
0x7b: {  	_ =	shalt  }
0x7c: {  	_ =	shalt  }
0x7d: {  	_ =	shalt  }
0x7e: {  	_ =	shalt  }
0x7f: {  	_ =	shalt  }
0x80: {  	_ =	shalt  }
0x81: {  	_ =	shalt  }
0x82: {  	_ =	shalt  }
0x83: {  	_ =	shalt  }
0x84: {  	_ =	shalt  }
0x85: {  	_ =	shalt  }
0x86: {  	_ =	shalt  }
0x87: {  	_ =	shalt  }
.Lfunc_end0:
.L_simem_size_0:
called_computation.2_lowered:
.L_overlay_start_0:
0x88: {  	s2 =	sld [smem:$0x3FD9]  }
0x89: {  	s3 =	sld [smem:$0x3FFE];
	_ =	sdelay $0x1  }
0x8a: {  	s1 =	srdreg.scid  }
0x8b: {  	s0 =	sand.u32 $0x1, s1  }
0x8c: {  	s16 =	sshll.u32 s0, $0xA;
	s2 =	sadd.s32 s3, s2  }
0x8d: {  	s2 =	sadd.s32 s2, s16  }
0x8e: {  	[smem:$0x3FBF] =	sst s2  }
0x8f: {  	_ = 	snop  }
0x90: {  	(tm) =	ssettm $0x1  }
0x91: {  	s17 =	sld [smem:$0x3FFB];
	_ =	sdelay $0x3  }
0x92: {  	_ =	strace s17  }
0x93: {  	s2 =	sld [smem:$0x3FFC];
	_ =	sdelay $0x3  }
0x94: {  	_ =	strace s2  }
0x95: {  	s2 =	sld [smem:$0x3FFD];
	_ =	sdelay $0x3  }
0x96: {  	_ =	strace s2  }
0x97: {  	_ =	strace $0x8FFFFFFF  }
0x98: {  	s18 =	sld [smem:$0x3FDB];
	_ =	sdelay $0x1  }
0x99: {  	s19 =	simm.s32 $_scs_section_size  }
0x9a: {  	s4 =	simm.s32 $_size__tile_overlayer_lowered;
	s5 =	simm.s32 $_tile_overlayer_lowered  }
0x9b: {  	s22 =	simm.s32 $0x1BFF;
	s21 =	sshll.u32 s5, $0x1;
	s2 =	sadd.s32 s19, s18  }
0x9c: {  	s6 =	simm.s32 $0x0;
	s20 =	sshll.u32 s4, $0x1;
	s4 =	sadd.s32 s21, s2  }
0x9d: {  	[timem:s6], [sflag:s22] =	dma.local [hbm:s4], s20  }
0x9e: {  	_ =	swait.ge [sflag:s22], s20  }
0x9f: {  	s3 =	ssub.s32 $0x0, s20;
	[sflag:s22] =	ssyncset.done $0x0  }
0xa0: {  	[sflag:s22] =	ssyncadd.s32 s3;
	_ =	sdelay $0x1  }
0xa1: {  	s23 =	simm.s32 $0x1B8B  }
0xa2: {  	_ =	swait.ge [sflag:s23], $0x1  }
0xa3: {  	[sflag:s23] =	ssyncset.done $0x0  }
0xa4: {  	s25 =	simm.s32 $0x1B8E;
	s24 =	sld [smem:$0x3FFE];
	[sflag:s23] =	ssyncadd.s32 $0xFFFFFFFF  }
0xa5: {  	s26 =	simm.s32 $execute0_lowered;
	[smem:$0x3FD2] =	sst s25  }
0xa6: {  	s4 =	sshll.u32 s26, $0x1;
	_ =	strace $0x8000004C;
	[dreg:$0x1] =	wrdreg $0xFFFFFFFF  }
0xa7: {  	s28 =	simm.s32 $_size_execute0_lowered;
	s2 =	sadd.s32 s2, s4;
	[dreg:$0x0] =	wrdreg $0x0  }
0xa8: {  	s4 =	sshll.u32 s28, $0x1;
	[dreg:$0x2] =	wrdreg s2  }
0xa9: {  	[dreg:$0x3] =	wrdreg s4  }
0xaa: {  	[dreg:$0x4] =	wrdreg $0xC0  }
0xab: {  	_ =	task [dreg:s6], $0x5FFFF  }
0xac: {  	[dreg:$0x1] =	wrdreg $0xFFFFFFFF  }
0xad: {  	[dreg:$0x0] =	wrdreg $0x60  }
0xae: {  	[dreg:$0x2] =	wrdreg s24  }
0xaf: {  	[dreg:$0x3] =	wrdreg $0x29000  }
0xb0: {  	[dreg:$0x4] =	wrdreg $0x9  }
0xb1: {  	_ =	task.clear_ibuf [dreg:s6], $0x5FFFF;
	_ =	strace $0x9000004C  }
0xb2: {  	s29 =	simm.s32 $0x9;
	_ =	strace $0x8000004E  }
0xb3: {  	_ =	swait.ge [sflag:s29], $0x1  }
0xb4: {  	[sflag:s29] =	ssyncadd.s32 $0xFFFFFFFF  }
0xb5: {  	_ =	strace $0x9000004E  }
0xb6: {  	_ =	sfence  }
0xb7: {  	s30 =	sld [smem:$0x0];
	_ =	sdelay $0x2  }
0xb8: {  	s31 =	sshll.u32 s1, $0xD;
	s1 =	sshrl.u32 s1, $0x2  }
0xb9: {  	s3 =	sand.u32 $0x4000, s31;
	s1 =	sadd.s32 s1, s30  }
0xba: {  	s0 =	sor.u32 s3, s0;
	s1 =	sshll.u32 s1, $0x11  }
0xbb: {  	s0 =	sor.u32 s1, s0  }
0xbc: {  	s0 =	sadd.s32 $0x8F2B, s0  }
0xbd: {  	[sflag:s0] =	ssyncadd.remote.s32 $0x1  }
0xbe: {  	_ =	sfence.sel $0xFFFF  }
0xbf: {  	[dreg:$0x0] =	wrdreg $0xFFFFFFFF;
	(pc) =	sbr.abs _section_cstart, $3  }
0xc0: {  	[dreg:$0x1] =	wrdreg $0xFFFFFFFF  }
0xc1: {  	_ =	task.clear_ibuf [dreg:s6], $0x2FFFF;
	_ =	strace $0x9FFFFFFF  }
0xc2: {  	(tm) =	ssettm $0x7FFFFFFF  }
0xc3: {  	_ =	shalt  }
tec
execute0_lowered:
.L_overlay_start_1:
0x0: {  	(tag) =	ssettag $0x1  }
0x1: {  	s6 =	rddreg [dreg:$0x0]  }
0x2: {  	s2 =	rddreg [dreg:$0x1]  }
0x3: {  	s0 =	rddreg [dreg:$0x2];
	s1 =	stileid.u32  }
0x4: {  	s4 =	srdreg.scid;
	s3 =	simm.s32 $0x0;
	s13 =	simm.s32 $0x80  }
0x5: {  	s14 =	simm.s32 $0x50;
	s16 =	simm.s32 $0x1;
	s5 =	smul.u32 $0x9C4, s1  }
0x6: {  	s17 =	simm.s32 $0x0;
	s7 =	sand.u32 $0x1, s4;
	s8 =	smul.u32 $0x278, s1  }
0x7: {  	[smem:$0x7FF] =	sst s3;
	s4 =	sadd.s32 $0x23000, s6;
	s9 =	smul.u32 $0x4F000, s1  }
0x8: {  	s31 =	sshll.u32 s1, $0x6;
	s15 =	smul.u32 $0x2780, s7;
	_ =	strace $0x8000004D  }
0x9: {  	s7 =	ssub.s32 $0x2, s7;
	s10 =	sadd.s32 s5, s6;
	s5 =	sadd.s32 $0x20800, s6  }
0xa: {  	s30 =	sshrl.u32 s7, $0x1;
	s9 =	sshrl.u32 s9, $0x2;
	s8 =	sadd.s32 s8, s15  }
0xb: {  	s11 =	ssub.s32 s7, s30;
	s12 =	sadd.s32 s9, s2;
	s8 =	sshll.u32 s8, $0x4  }
0xc: {  	s9 =	sadd.s32 $0xCA00, s10;
	s10 =	sadd.s32 $0x2C00, s10;
	s8 =	sadd.s32 s8, s6  }
0xd: {  	v0 =	vmov s15;
	s15 =	simm.s32 $0x100;
	s6 =	sor.u32 $0x1C02, s31;
	s7 =	sadd.s32 $0x72000, s8  }
0xe: {  	s8 =	smax.u32 s11, $0x1;
	s11 =	sshrl.u32 s12, $0x3;
	s12 =	simm.s32 $0x2  }
.LBB2_1:
0xf: {  	[spmem:s11], [sflag:s6] =	dma.local [hbm:s5], $0x2780  }
0x10: {  	_ =	swait.ge [sflag:s12], $0x2780  }
0x11: {  	[sflag:s12] =	ssyncset.done $0x0  }
0x12: {  	[sflag:s12] =	ssyncadd.s32 $0xFFFFD880  }
0x13: {  	s18 =	sadd.s32 $0x0, s10;
	[bflag:$0x0] =	sbarrier.arrive $0xFFFF  }
0x14: {  	[tilespmem:s3], [sflag:$0x2] =	stream.linear.gather [hbm4b:s18+s3], $0x50, $0x38;
	[tilespmem:$0x16500] =	vst v63  }
0x15: {  	_ =	swait.ge [sflag:s12], $0x50  }
0x16: {  	[sflag:s12] =	ssyncset.done $0x0  }
0x17: {  	s31 =	sadd.s32 $0x0, s9;
	[sflag:s12] =	ssyncadd.s32 $0xFFFFFFB0  }
0x18: {  	[tilespmem:s13], [sflag:$0x2] =	stream.linear.gather [hbm4b:s31+s3], $0x50, $0x38;
	[tilespmem:$0x16500] =	vst v63  }
0x19: {  	_ =	swait.ge [sflag:s12], $0x50  }
0x1a: {  	[sflag:s12] =	ssyncset.done $0x0  }
0x1b: {  	[sflag:s12] =	ssyncadd.s32 $0xFFFFFFB0  }
0x1c: {  	v1 =	vld [tilespmem:$0x40]  }
0x1d: {  	v2 =	vld [tilespmem:$0x20]  }
0x1e: {  	v3 =	vld [tilespmem:$0x30]  }
0x1f: {  	v4 =	vld [tilespmem:$0x10]  }
0x20: {  	v5 =	vld [tilespmem:$0x0]  }
0x21: {  	v1 =	vadd.s32 v0, v1  }
0x22: {  	v2 =	vadd.s32 v0, v2;
	[tilespmem:$0x40] =	vst v1  }
0x23: {  	[tilespmem:$0x20] =	vst v2;
	v1 =	vadd.s32 v0, v3  }
0x24: {  	v2 =	vadd.s32 v0, v4;
	[tilespmem:$0x30] =	vst v1  }
0x25: {  	v1 =	vadd.s32 v0, v5;
	[tilespmem:$0x10] =	vst v2  }
0x26: {  	[tilespmem:$0x0] =	vst v1  }
0x27: {  	[tilespmem:s15], [sflag:$0x1] =	stream.indirect.gather [hbm4b:s4+s14], $0x80, s3, s14, $0xb8;
	[tilespmem:$0x16500] =	vst v63  }
0x28: {  	_ =	swait.ge [sflag:s16], $0x2800  }
0x29: {  	s18 =	simm.s32 $0xA;
	[sflag:s16] =	ssyncset.done $0x0  }
.LBB2_2:
0x2a: {  	p0 =	sne.s32 s18, $0x9BA  }
0x2b: {  	[sflag:s16] =	ssyncadd.s32 $0xFFFFD800;
	s19 =	smov.u32 s18;
	s18 =	sadd.s32 $0xA, s18  }
0x2c: {  	[spmem:s2] =	stream.indirect.scatter.add.f32 [tilespmem:s15], [sflag:$0x2], $0x80, s13, s14, $0xb8;
	[tilespmem:$0x16500] =	vst v63  }
0x2d: {  	_ =	swait.ge [sflag:s12], $0x2800  }
0x2e: {  	[sflag:s12] =	ssyncset.done $0x0  }
0x2f: {  	s20 =	sadd.s32 s19, s10;
	[sflag:s12] =	ssyncadd.s32 $0xFFFFD800  }
0x30: {  	[tilespmem:s3], [sflag:$0x2] =	stream.linear.gather [hbm4b:s20+s3], $0x50, $0x38;
	[tilespmem:$0x16500] =	vst v63  }
0x31: {  	_ =	swait.ge [sflag:s12], $0x50  }
0x32: {  	[sflag:s12] =	ssyncset.done $0x0  }
0x33: {  	s19 =	sadd.s32 s19, s9;
	[sflag:s12] =	ssyncadd.s32 $0xFFFFFFB0  }
0x34: {  	[tilespmem:s13], [sflag:$0x2] =	stream.linear.gather [hbm4b:s19+s3], $0x50, $0x38;
	[tilespmem:$0x16500] =	vst v63  }
0x35: {  	_ =	swait.ge [sflag:s12], $0x50  }
0x36: {  	[sflag:s12] =	ssyncset.done $0x0  }
0x37: {  	[sflag:s12] =	ssyncadd.s32 $0xFFFFFFB0  }
0x38: {  	v1 =	vld [tilespmem:$0x40]  }
0x39: {  	v2 =	vld [tilespmem:$0x20]  }
0x3a: {  	v3 =	vld [tilespmem:$0x30]  }
0x3b: {  	v4 =	vld [tilespmem:$0x10]  }
0x3c: {  	v5 =	vld [tilespmem:$0x0]  }
0x3d: {  	v1 =	vadd.s32 v0, v1  }
0x3e: {  	v2 =	vadd.s32 v0, v2;
	[tilespmem:$0x40] =	vst v1  }
0x3f: {  	[tilespmem:$0x20] =	vst v2;
	v1 =	vadd.s32 v0, v3  }
0x40: {  	v2 =	vadd.s32 v0, v4;
	[tilespmem:$0x30] =	vst v1  }
.Ltmp0:
0x41: {  	v1 =	vadd.s32 v0, v5;
	[tilespmem:$0x10] =	vst v2;
	(pc) =	sbr.rel @p0 .LBB2_2-.Ltmp0, $4  }
0x42: {  	[tilespmem:$0x0] =	vst v1  }
0x43: {  	[tilespmem:s15], [sflag:$0x1] =	stream.indirect.gather [hbm4b:s4+s14], $0x80, s3, s14, $0xb8;
	[tilespmem:$0x16500] =	vst v63  }
0x44: {  	_ =	swait.ge [sflag:s16], $0x2800  }
0x45: {  	[sflag:s16] =	ssyncset.done $0x0  }
0x46: {  	[sflag:s16] =	ssyncadd.s32 $0xFFFFD800  }
0x47: {  	[spmem:s2] =	stream.indirect.scatter.add.f32 [tilespmem:s15], [sflag:$0x2], $0x80, s13, s14, $0xb8;
	[tilespmem:$0x16500] =	vst v63  }
0x48: {  	_ =	swait.ge [sflag:s12], $0x2800  }
0x49: {  	s17 =	sadd.s32 $0x1, s17;
	[sflag:s12] =	ssyncset.done $0x0  }
0x4a: {  	p0 =	sne.s32 s17, s8;
	[sflag:s12] =	ssyncadd.s32 $0xFFFFD800  }
.Ltmp1:
0x4b: {  	[bflag:$0x0] =	sbarrier.arrive $0xFFFF;
	(pc) =	sbr.rel @p0 .LBB2_1-.Ltmp1, $4  }
0x4c: {  	[hbm:s7], [sflag:s6] =	dma.local [spmem:s11], $0x2780  }
0x4d: {  	_ =	swait.ge [sflag:s12], $0x2780  }
0x4e: {  	[sflag:s12] =	ssyncset.done $0x0  }
0x4f: {  	[sflag:s12] =	ssyncadd.s32 $0xFFFFD880  }
0x50: {  	_ =	sfence.sel $0x180000  }
0x51: {  	[bflag:$0x0] =	sbarrier.arrive $0xFFFF  }
0x52: {  	p0 =	sne.s32 s1, $0x0;
	_ =	strace $0x9000004D  }
0x53: {  	s0 =	sadd.s32 @!p0 $0x100000, s0;
	[bflag:$0x2] =	sbarrier.arrive $0xFFFF  }
0x54: {  	[sflag:s0] =	ssyncadd.tile.s32 @!p0 $0x1;
	_ =	shalt  }
.Lfunc_end2:
_tile_overlayer_lowered:
.L_overlay_start_2:
0x55: {  	(tag) =	ssettag $0x2  }
0x56: {  	s0 =	rddreg [dreg:$0x0];
	s2 =	stileid.u32  }
0x57: {  	s1 =	rddreg [dreg:$0x1];
	p0 =	sne.s32 s2, $0x0  }
0x58: {  	s3 =	rddreg [dreg:$0x2];
	[bflag:$0x3] =	sbarrier.arrive $0xFFFF;
	s2 =	simm.s32 @!p0 $0x1C02  }
0x59: {  	[timem:s3], [sflag:s2] =	dma.local @!p0 [hbm:s0], s1  }
0x5a: {  	s0 =	simm.s32 @!p0 $0x2  }
0x5b: {  	_ =	swait.ge @!p0 [sflag:s0], s1  }
0x5c: {  	s1 =	ssub.s32 @!p0 $0x0, s1;
	[sflag:s0] =	ssyncset.done @!p0 $0x0  }
0x5d: {  	[sflag:s0] =	ssyncadd.s32 @!p0 s1  }
0x5e: {  	[bflag:$0x3] =	sbarrier.arrive $0xFFFF  }
0x5f: {  	_ =	shalt  }

// kernel: kernel.8.cloned.1.call-start
scs
__scs_entry_jumppad:
0x0: {  	(pc) =	sbr.rel $0x88, $3  }
0x1: {  	(tag) =	ssettag $0x0;
	lr =	simm.s32 $0x1  }
0x2: {  	[smem:$0x3F98] =	sst lr;
	_ =	strace $0xD0000000  }
0x3: {  	_ = 	snop  }
0x4: {  	_ = 	snop  }
0x5: {  	_ = 	snop  }
0x6: {  	_ = 	snop  }
0x7: {  	_ = 	snop  }
__scs_overlays_trampoline_lowered:
0x8: {  	[smem:$0x3FA7] =	sst s0  }
0x9: {  	[smem:$0x3FA8] =	sst s1  }
0xa: {  	[smem:$0x3FA9] =	sst s2  }
0xb: {  	[smem:$0x3FAA] =	sst s3  }
0xc: {  	[smem:$0x3FAB] =	sst s4  }
0xd: {  	[smem:$0x3FAC] =	sst s5  }
0xe: {  	[smem:$0x3FAD] =	sst s6  }
0xf: {  	[smem:$0x3FAE] =	sst s7  }
0x10: {  	[smem:$0x3FAF] =	sst s8  }
0x11: {  	[smem:$0x3FB0] =	sst s9;
	s0 =	simm.s32 @!p0 $0x0  }
0x12: {  	s1 =	sld [smem:$0x3F96];
	s0 =	simm.s32 @p0 $0x1  }
0x13: {  	[smem:$0x3FB1] =	sst s0;
	s0 =	simm.s32 @!p1 $0x0  }
0x14: {  	s2 =	sld [smem:$0x3F95];
	s0 =	simm.s32 @p1 $0x1  }
0x15: {  	[smem:$0x3FB2] =	sst s0;
	s0 =	simm.s32 @!p2 $0x0  }
0x16: {  	s3 =	sld [smem:$0x3FDB];
	s0 =	simm.s32 @p2 $0x1  }
0x17: {  	s4 =	simm.s32 $0x1BF5;
	[smem:$0x3FB4] =	sst s0  }
0x18: {  	s0 =	sld [smem:$0x3F97];
	_ =	swait.ge [sflag:s4], $0x0  }
0x19: {  	s7 =	sld [smem:$0x3F98]  }
0x1a: {  	s8 =	sadd.s32 $0xFFFFE003, lr  }
0x1b: {  	s9 =	sadd.s32 $0xFFFFFEF7, lr;
	s5 =	simm.s32 $0xFFFFFFFF;
	p2 =	slt.u32 s8, $0xFFFFF086  }
0x1c: {  	p1 =	slt.u32 s9, $0xF7A;
	s5 =	simm.s32 @!p2 $0x0  }
0x1d: {  	s5 =	simm.s32 @p1 $0x1;
	p0 =	seq.s32 s7, s2  }
0x1e: {  	s7 =	smul.u32 @!p0 $0xF7A, s2;
	p2 =	seq.s32 @!p0 s5, $0x0  }
0x1f: {  	s9 =	smul.u32 $0xF7A, s1;
	s8 =	simm.s32 @!p0 $0x1BF5;
	p2 =	por !p2, p0  }
0x20: {  	[sflag:s8] =	ssyncset.s32 @!p0 $0xFFFFF086;
	s6 =	sadd.s32 @!p0 s3, s7;
	s7 =	simm.s32 @!p0 $0x108  }
0x21: {  	s3 =	sadd.s32 s3, s9;
	s6 =	sadd.s32 @!p0 $0x88, s6;
	s7 =	simm.s32 @p2 $0x1082  }
0x22: {  	[simem:s7], [sflag:s8] =	dma.local @!p0 [hbm:s6], $0xF7A  }
0x23: {  	s9 =	sor.u32 $0xD0000000, s2;
	s6 =	simm.s32 $0x108;
	_ =	swait.ge @!p0 [sflag:s8], $0x0  }
0x24: {  	s3 =	sadd.s32 $0x88, s3;
	s6 =	simm.s32 @!p1 $0x1082;
	[sflag:s4] =	ssyncset.s32 $0xFFFFF086  }
0x25: {  	[simem:s6], [sflag:s4] =	dma.local [hbm:s3], $0xF7A  }
0x26: {  	[smem:$0x3F98] =	sst s1;
	(tag) =	ssettag s2;
	_ =	strace s9  }
0x27: {  	s1 =	sld [smem:$0x3FA8]  }
0x28: {  	s2 =	sld [smem:$0x3FA9]  }
0x29: {  	s4 =	sld [smem:$0x3FAB]  }
0x2a: {  	p0 =	seq.s32 s5, $0x0;
	s5 =	sld [smem:$0x3FAC]  }
0x2b: {  	s6 =	sld [smem:$0x3FAD]  }
0x2c: {  	s7 =	sld [smem:$0x3FAE]  }
0x2d: {  	s3 =	simm.s32 $0x108;
	s8 =	sld [smem:$0x3FAF]  }
0x2e: {  	s3 =	simm.s32 @!p0 $0x1082;
	s9 =	sld [smem:$0x3FB0]  }
0x2f: {  	lr =	sadd.s32 s0, s3;
	s0 =	sld [smem:$0x3FA7]  }
0x30: {  	s3 =	sld [smem:$0x3FAA]  }
0x31: {  	[smem:$0x3FB3] =	sst s10  }
0x32: {  	s10 =	sld [smem:$0x3FB1];
	_ =	sdelay $0x3  }
0x33: {  	p0 =	seq.s32 s10, $0x1;
	s10 =	sld [smem:$0x3FB3];
	_ =	sdelay $0x3  }
0x34: {  	[smem:$0x3FB3] =	sst s10  }
0x35: {  	s10 =	sld [smem:$0x3FB2];
	_ =	sdelay $0x3  }
0x36: {  	p1 =	seq.s32 s10, $0x1;
	s10 =	sld [smem:$0x3FB3];
	_ =	sdelay $0x3  }
0x37: {  	[smem:$0x3FB3] =	sst s10  }
0x38: {  	s10 =	sld [smem:$0x3FB4]  }
0x39: {  	_ = 	snop;
	(pc) =	sbr.ind lr, $3  }
0x3a: {  	_ = 	snop  }
0x3b: {  	_ = 	snop  }
0x3c: {  	p2 =	seq.s32 s10, $0x1;
	s10 =	sld [smem:$0x3FB3]  }
0x3d: {  	_ =	shalt  }
0x3e: {  	_ =	shalt  }
0x3f: {  	_ =	shalt  }
0x40: {  	_ =	shalt  }
0x41: {  	_ =	shalt  }
0x42: {  	_ =	shalt  }
0x43: {  	_ =	shalt  }
0x44: {  	_ =	shalt  }
0x45: {  	_ =	shalt  }
0x46: {  	_ =	shalt  }
0x47: {  	_ =	shalt  }
0x48: {  	_ =	shalt  }
0x49: {  	_ =	shalt  }
0x4a: {  	_ =	shalt  }
0x4b: {  	_ =	shalt  }
0x4c: {  	_ =	shalt  }
0x4d: {  	_ =	shalt  }
0x4e: {  	_ =	shalt  }
0x4f: {  	_ =	shalt  }
0x50: {  	_ =	shalt  }
0x51: {  	_ =	shalt  }
0x52: {  	_ =	shalt  }
0x53: {  	_ =	shalt  }
0x54: {  	_ =	shalt  }
0x55: {  	_ =	shalt  }
0x56: {  	_ =	shalt  }
0x57: {  	_ =	shalt  }
0x58: {  	_ =	shalt  }
0x59: {  	_ =	shalt  }
0x5a: {  	_ =	shalt  }
0x5b: {  	_ =	shalt  }
0x5c: {  	_ =	shalt  }
0x5d: {  	_ =	shalt  }
0x5e: {  	_ =	shalt  }
0x5f: {  	_ =	shalt  }
0x60: {  	_ =	shalt  }
0x61: {  	_ =	shalt  }
0x62: {  	_ =	shalt  }
0x63: {  	_ =	shalt  }
0x64: {  	_ =	shalt  }
0x65: {  	_ =	shalt  }
0x66: {  	_ =	shalt  }
0x67: {  	_ =	shalt  }
0x68: {  	_ =	shalt  }
0x69: {  	_ =	shalt  }
0x6a: {  	_ =	shalt  }
0x6b: {  	_ =	shalt  }
0x6c: {  	_ =	shalt  }
0x6d: {  	_ =	shalt  }
0x6e: {  	_ =	shalt  }
0x6f: {  	_ =	shalt  }
0x70: {  	_ =	shalt  }
0x71: {  	_ =	shalt  }
0x72: {  	_ =	shalt  }
0x73: {  	_ =	shalt  }
0x74: {  	_ =	shalt  }
0x75: {  	_ =	shalt  }
0x76: {  	_ =	shalt  }
0x77: {  	_ =	shalt  }
0x78: {  	_ =	shalt  }
0x79: {  	_ =	shalt  }
0x7a: {  	_ =	shalt  }
0x7b: {  	_ =	shalt  }
0x7c: {  	_ =	shalt  }
0x7d: {  	_ =	shalt  }
0x7e: {  	_ =	shalt  }
0x7f: {  	_ =	shalt  }
0x80: {  	_ =	shalt  }
0x81: {  	_ =	shalt  }
0x82: {  	_ =	shalt  }
0x83: {  	_ =	shalt  }
0x84: {  	_ =	shalt  }
0x85: {  	_ =	shalt  }
0x86: {  	_ =	shalt  }
0x87: {  	_ =	shalt  }
.Lfunc_end0:
.L_simem_size_0:
called_computation_lowered:
.L_overlay_start_0:
0x88: {  	s2 =	sld [smem:$0x3FD9]  }
0x89: {  	s3 =	sld [smem:$0x3FFE];
	_ =	sdelay $0x1  }
0x8a: {  	s1 =	srdreg.scid  }
0x8b: {  	s0 =	sand.u32 $0x1, s1  }
0x8c: {  	s16 =	sshll.u32 s0, $0xA;
	s2 =	sadd.s32 s3, s2  }
0x8d: {  	s2 =	sadd.s32 s2, s16  }
0x8e: {  	[smem:$0x3FBF] =	sst s2  }
0x8f: {  	_ = 	snop  }
0x90: {  	(tm) =	ssettm $0x1  }
0x91: {  	s17 =	sld [smem:$0x3FFB];
	_ =	sdelay $0x3  }
0x92: {  	_ =	strace s17  }
0x93: {  	s2 =	sld [smem:$0x3FFC];
	_ =	sdelay $0x3  }
0x94: {  	_ =	strace s2  }
0x95: {  	s2 =	sld [smem:$0x3FFD];
	_ =	sdelay $0x3  }
0x96: {  	_ =	strace s2  }
0x97: {  	_ =	strace $0x8FFFFFFF  }
0x98: {  	s18 =	sld [smem:$0x3FDB];
	_ =	sdelay $0x1  }
0x99: {  	s19 =	simm.s32 $_scs_section_size  }
0x9a: {  	s4 =	simm.s32 $_size__tile_overlayer_lowered;
	s5 =	simm.s32 $_tile_overlayer_lowered  }
0x9b: {  	s22 =	simm.s32 $0x1BFF;
	s21 =	sshll.u32 s5, $0x1;
	s2 =	sadd.s32 s19, s18  }
0x9c: {  	s6 =	simm.s32 $0x0;
	s20 =	sshll.u32 s4, $0x1;
	s4 =	sadd.s32 s21, s2  }
0x9d: {  	[timem:s6], [sflag:s22] =	dma.local [hbm:s4], s20  }
0x9e: {  	_ =	swait.ge [sflag:s22], s20  }
0x9f: {  	s3 =	ssub.s32 $0x0, s20;
	[sflag:s22] =	ssyncset.done $0x0  }
0xa0: {  	[sflag:s22] =	ssyncadd.s32 s3;
	_ =	sdelay $0x1  }
0xa1: {  	s23 =	simm.s32 $0x1B8B  }
0xa2: {  	_ =	swait.ge [sflag:s23], $0x1  }
0xa3: {  	[sflag:s23] =	ssyncset.done $0x0  }
0xa4: {  	s25 =	simm.s32 $0x1B8E;
	s24 =	sld [smem:$0x3FFE];
	[sflag:s23] =	ssyncadd.s32 $0xFFFFFFFF  }
0xa5: {  	s26 =	simm.s32 $execute0_lowered;
	[smem:$0x3FD2] =	sst s25  }
0xa6: {  	s4 =	sshll.u32 s26, $0x1;
	_ =	strace $0x80000046;
	[dreg:$0x1] =	wrdreg $0xFFFFFFFF  }
0xa7: {  	s28 =	simm.s32 $_size_execute0_lowered;
	s2 =	sadd.s32 s2, s4;
	[dreg:$0x0] =	wrdreg $0x0  }
0xa8: {  	s4 =	sshll.u32 s28, $0x1;
	[dreg:$0x2] =	wrdreg s2  }
0xa9: {  	[dreg:$0x3] =	wrdreg s4  }
0xaa: {  	[dreg:$0x4] =	wrdreg $0xC0  }
0xab: {  	_ =	task [dreg:s6], $0x5FFFF  }
0xac: {  	[dreg:$0x1] =	wrdreg $0xFFFFFFFF  }
0xad: {  	[dreg:$0x0] =	wrdreg $0x60  }
0xae: {  	[dreg:$0x2] =	wrdreg s24  }
0xaf: {  	[dreg:$0x3] =	wrdreg $0x68000  }
0xb0: {  	[dreg:$0x4] =	wrdreg $0x9  }
0xb1: {  	_ =	task.clear_ibuf [dreg:s6], $0x5FFFF;
	_ =	strace $0x90000046  }
0xb2: {  	s29 =	simm.s32 $0x9;
	_ =	strace $0x80000048  }
0xb3: {  	_ =	swait.ge [sflag:s29], $0x1  }
0xb4: {  	[sflag:s29] =	ssyncadd.s32 $0xFFFFFFFF  }
0xb5: {  	_ =	strace $0x90000048  }
0xb6: {  	_ =	sfence  }
0xb7: {  	s30 =	sld [smem:$0x0];
	_ =	sdelay $0x2  }
0xb8: {  	s31 =	sshll.u32 s1, $0xD;
	s1 =	sshrl.u32 s1, $0x2  }
0xb9: {  	s3 =	sand.u32 $0x4000, s31;
	s1 =	sadd.s32 s1, s30  }
0xba: {  	s0 =	sor.u32 s3, s0;
	s1 =	sshll.u32 s1, $0x11  }
0xbb: {  	s0 =	sor.u32 s1, s0  }
0xbc: {  	s0 =	sadd.s32 $0x8F2B, s0  }
0xbd: {  	[sflag:s0] =	ssyncadd.remote.s32 $0x1  }
0xbe: {  	_ =	sfence.sel $0xFFFF  }
0xbf: {  	[dreg:$0x0] =	wrdreg $0xFFFFFFFF;
	(pc) =	sbr.abs _section_cstart, $3  }
0xc0: {  	[dreg:$0x1] =	wrdreg $0xFFFFFFFF  }
0xc1: {  	_ =	task.clear_ibuf [dreg:s6], $0x2FFFF;
	_ =	strace $0x9FFFFFFF  }
0xc2: {  	(tm) =	ssettm $0x7FFFFFFF  }
0xc3: {  	_ =	shalt  }
tec
execute0_lowered:
.L_overlay_start_1:
0x0: {  	(tag) =	ssettag $0x1  }
0x1: {  	s6 =	rddreg [dreg:$0x0]  }
0x2: {  	s0 =	srdreg.scid;
	s2 =	rddreg [dreg:$0x1]  }
0x3: {  	s3 =	simm.s32 $0x0;
	s5 =	sand.u32 $0x1, s0;
	s0 =	stileid.u32  }
0x4: {  	s13 =	simm.s32 $0x80;
	s14 =	simm.s32 $0x1;
	s7 =	smul.u32 $0x2780, s0  }
0x5: {  	s15 =	simm.s32 $0x0;
	[smem:$0x7FF] =	sst s3;
	s9 =	smul.u32 $0x27800, s5  }
0x6: {  	s1 =	sshll.u32 s5, $0x4;
	s10 =	ssub.s32 $0x2, s5;
	s11 =	smul.u32 $0x4F000, s0  }
0x7: {  	s5 =	sadd.s32 $0x20800, s6;
	s31 =	sshll.u32 s0, $0x6;
	s4 =	sor.u32 s0, s1  }
0x8: {  	s1 =	rddreg [dreg:$0x2];
	_ =	strace $0x80000047;
	s29 =	sshrl.u32 s10, $0x1  }
0x9: {  	s4 =	smul.u32 $0x500, s4;
	s7 =	sadd.s32 s7, s9;
	s9 =	ssub.s32 s10, s29  }
0xa: {  	s30 =	sshrl.u32 s11, $0x2;
	s10 =	simm.s32 $0x2;
	s11 =	sor.u32 $0x1C02, s31  }
0xb: {  	s7 =	sadd.s32 s7, s6;
	s12 =	sadd.s32 s30, s2;
	s8 =	sadd.s32 s4, s6  }
0xc: {  	s4 =	sadd.s32 $0x23000, s6;
	s7 =	sadd.s32 $0x23800, s7;
	s12 =	sshrl.u32 s12, $0x3  }
0xd: {  	s6 =	sadd.s32 $0x16800, s8;
	s8 =	smax.u32 s9, $0x1;
	s9 =	simm.s32 $0x2800  }
.LBB2_1:
0xe: {  	[tilespmem:s9], [sflag:$0x2] =	stream.linear.gather [hbm4b:s4+s3], $0x4000, $0x38;
	[tilespmem:$0x1A400] =	vst v63  }
0xf: {  	_ =	swait.ge [sflag:s10], $0x4000  }
0x10: {  	[sflag:s10] =	ssyncset.done $0x0  }
0x11: {  	[sflag:s10] =	ssyncadd.s32 $0xFFFFC000  }
0x12: {  	[tilespmem:s3], [sflag:$0x2] =	stream.linear.gather [hbm4b:s6+s3], $0x2800, $0x38;
	[tilespmem:$0x1A400] =	vst v63  }
0x13: {  	_ =	swait.ge [sflag:s10], $0x2800  }
0x14: {  	[sflag:s10] =	ssyncset.done $0x0  }
0x15: {  	[sflag:s10] =	ssyncadd.s32 $0xFFFFD800  }
0x16: {  	[spmem:s12], [sflag:s11] =	dma.local [hbm:s5], $0x2780  }
0x17: {  	_ =	swait.ge [sflag:s10], $0x2780  }
0x18: {  	[sflag:s10] =	ssyncset.done $0x0  }
0x19: {  	[sflag:s10] =	ssyncadd.s32 $0xFFFFD880  }
0x1a: {  	[bflag:$0x0] =	sbarrier.arrive $0xFFFF  }
0x1b: {  	[spmem:s2] =	stream.indirect.scatter.add.f32 [tilespmem:s9], [sflag:$0x1], $0x80, s3, s13, $0xb8;
	[tilespmem:$0x1A400] =	vst v63  }
0x1c: {  	s16 =	simm.s32 $0x80  }
0x1d: {  	[spmem:s2] =	stream.indirect.scatter.add.f32 [tilespmem:s9], [sflag:$0x1], $0x80, s16, s13, $0xb8;
	[tilespmem:$0x1A400] =	vst v63  }
0x1e: {  	_ =	swait.ge [sflag:s14], $0x4000  }
0x1f: {  	s16 =	simm.s32 $0x400;
	[sflag:s14] =	ssyncset.done $0x0  }
.LBB2_2:
0x20: {  	s17 =	sshra.s32 s16, $0x2;
	[sflag:s14] =	ssyncadd.s32 $0xFFFFC000;
	p0 =	sne.s32 s16, $0x9E00  }
0x21: {  	[spmem:s2] =	stream.indirect.scatter.add.f32 [tilespmem:s9], [sflag:$0x1], $0x80, s17, s13, $0xb8;
	[tilespmem:$0x1A400] =	vst v63  }
.Ltmp0:
0x22: {  	_ = 	snop;
	(pc) =	sbr.rel @p0 .LBB2_2-.Ltmp0, $4  }
0x23: {  	_ = 	snop  }
0x24: {  	s16 =	sadd.s32 $0x200, s16  }
0x25: {  	_ =	swait.ge [sflag:s14], $0x4000  }
0x26: {  	[sflag:s14] =	ssyncset.done $0x0  }
0x27: {  	[sflag:s14] =	ssyncadd.s32 $0xFFFFC000  }
0x28: {  	_ =	swait.ge [sflag:s14], $0x4000  }
0x29: {  	s15 =	sadd.s32 $0x1, s15;
	[sflag:s14] =	ssyncset.done $0x0  }
0x2a: {  	p0 =	sne.s32 s15, s8;
	[sflag:s14] =	ssyncadd.s32 $0xFFFFC000  }
.Ltmp1:
0x2b: {  	[bflag:$0x0] =	sbarrier.arrive $0xFFFF;
	(pc) =	sbr.rel @p0 .LBB2_1-.Ltmp1, $4  }
0x2c: {  	[hbm:s7], [sflag:s11] =	dma.local [spmem:s12], $0x2780  }
0x2d: {  	_ =	swait.ge [sflag:s10], $0x2780  }
0x2e: {  	[sflag:s10] =	ssyncset.done $0x0  }
0x2f: {  	[sflag:s10] =	ssyncadd.s32 $0xFFFFD880  }
0x30: {  	_ =	sfence.sel $0x180000  }
0x31: {  	[bflag:$0x0] =	sbarrier.arrive $0xFFFF  }
0x32: {  	p0 =	sne.s32 s0, $0x0;
	_ =	strace $0x90000047  }
0x33: {  	s0 =	sadd.s32 @!p0 $0x100000, s1;
	[bflag:$0x2] =	sbarrier.arrive $0xFFFF  }
0x34: {  	[sflag:s0] =	ssyncadd.tile.s32 @!p0 $0x1;
	_ =	shalt  }
.Lfunc_end2:
_tile_overlayer_lowered:
.L_overlay_start_2:
0x35: {  	(tag) =	ssettag $0x2  }
0x36: {  	s0 =	rddreg [dreg:$0x0];
	s2 =	stileid.u32  }
0x37: {  	s1 =	rddreg [dreg:$0x1];
	p0 =	sne.s32 s2, $0x0  }
0x38: {  	s3 =	rddreg [dreg:$0x2];
	[bflag:$0x3] =	sbarrier.arrive $0xFFFF;
	s2 =	simm.s32 @!p0 $0x1C02  }
0x39: {  	[timem:s3], [sflag:s2] =	dma.local @!p0 [hbm:s0], s1  }
0x3a: {  	s0 =	simm.s32 @!p0 $0x2  }
0x3b: {  	_ =	swait.ge @!p0 [sflag:s0], s1  }
0x3c: {  	s1 =	ssub.s32 @!p0 $0x0, s1;
	[sflag:s0] =	ssyncset.done @!p0 $0x0  }
0x3d: {  	[sflag:s0] =	ssyncadd.s32 @!p0 s1  }
0x3e: {  	[bflag:$0x3] =	sbarrier.arrive $0xFFFF  }
0x3f: {  	_ =	shalt  }

</sc_bundles>
